<compile_context>
chip_gen: v7x
topology: tpu7x:2x2x1
jax: 0.10.2.dev20260603
libtpu: 0.0.44.dev20260713+nightly
codegen_flags: <defaults>
</compile_context>

<pallas_src>
import functools

import jax
import jax.numpy as jnp
import numpy as np
from jax import lax
from jax.experimental import pallas as pl
from jax.experimental.pallas import tpu as pltpu
from jax.experimental.pallas import tpu_sc as plsc

N = 10000
E = 320000
D = 128
B = 100
NODES = 100

NC = 2
NS = 16
NW = NC * NS
CH = 80
T_FAST = 128
T_SLOW = 122
E_PAD = NS * (T_FAST + T_SLOW) * CH
N_PAD = 10112
RPT = N_PAD // NS

_ZROW = np.zeros((N_PAD, D), np.float32)
_ZDEG = np.zeros((N_PAD,), np.float32)

_mesh = plsc.VectorSubcoreMesh(core_axis_name="c", subcore_axis_name="s")


def _sc_body(with_deg, x_hbm, src_hbm, dst_hbm, zrow_hbm, zdeg_hbm,
             agg_hbm, deg_hbm,
             acc, srcs, rows0, rows1, db0, db1, hist,
             semg0, semg1, semd0, semd1, semsc):
    c = lax.axis_index("c")
    s = lax.axis_index("s")
    wid = c * NS + s
    nch = jnp.where(c == 0, T_FAST, T_SLOW)
    ebase = jnp.where(c == 0, s * (T_FAST * CH),
                      NS * (T_FAST * CH) + s * (T_SLOW * CH))

    @pl.when(c == 0)
    def _():
        pltpu.sync_copy(src_hbm.at[pl.ds(ebase, T_FAST * CH)], srcs)

    @pl.when(c == 1)
    def _():
        pltpu.sync_copy(src_hbm.at[pl.ds(ebase, T_SLOW * CH)],
                        srcs.at[pl.ds(0, T_SLOW * CH)])

    pltpu.sync_copy(zrow_hbm.at[pl.ds(s * RPT, RPT)], acc.at[pl.ds(s * RPT, RPT)])
    if with_deg:
        pltpu.sync_copy(zdeg_hbm, hist)
    plsc.subcore_barrier()

    rows = (rows0, rows1)
    semg = (semg0, semg1)
    dstb = (db0, db1)
    semd = (semd0, semd1)

    def gather(g, j2):
        return pltpu.make_async_copy(
            x_hbm.at[srcs.at[pl.ds(g * CH, CH)]], rows[j2], semg[j2])

    def dstload(g, j2):
        return pltpu.make_async_copy(
            dst_hbm.at[pl.ds(ebase + g * CH, CH)], dstb[j2], semd[j2])

    for b in range(2):
        gather(b, b).start()
        dstload(b, b).start()

    def step(k2, carry):
        for b in range(2):
            g = k2 * 2 + b
            gather(g, b).wait()
            dstload(g, b).wait()
            db = dstb[b]
            sc = pltpu.async_copy(rows[b], acc.at[db], semsc, add=True)
            if with_deg:
                for i in range(CH // 16):
                    dv = db[pl.ds(i * 16, 16)]
                    cnt, last = plsc.scan_count(dv)
                    old = plsc.load_gather(hist, [dv])
                    plsc.store_scatter(hist, [dv], old + cnt.astype(jnp.float32),
                                       mask=last)
            sc.wait()

            @pl.when(g + 2 < nch)
            def _():
                gather(g + 2, b).start()
                dstload(g + 2, b).start()
        return carry

    lax.fori_loop(0, nch // 2, step, 0)
    if with_deg:
        pltpu.sync_copy(hist, deg_hbm.at[pl.ds(wid * N_PAD, N_PAD)])
    plsc.subcore_barrier()

    out0 = c * N_PAD + s * RPT
    pltpu.sync_copy(acc.at[pl.ds(s * RPT, RPT)], agg_hbm.at[pl.ds(out0, RPT)])


def _make_sc(with_deg):
    return functools.partial(
        pl.kernel,
        out_type=[
            jax.ShapeDtypeStruct((NC * N_PAD, D), jnp.float32),
            jax.ShapeDtypeStruct((NW * N_PAD,), jnp.float32),
        ],
        mesh=_mesh,
        compiler_params=pltpu.CompilerParams(needs_layout_passes=False),
        scratch_types=[
            pltpu.VMEM_SHARED((N_PAD, D), jnp.float32),
            pltpu.VMEM((T_FAST * CH,), jnp.int32),
            pltpu.VMEM((CH, D), jnp.float32),
            pltpu.VMEM((CH, D), jnp.float32),
            pltpu.VMEM((CH,), jnp.int32),
            pltpu.VMEM((CH,), jnp.int32),
            pltpu.VMEM((N_PAD,), jnp.float32),
            pltpu.SemaphoreType.DMA,
            pltpu.SemaphoreType.DMA,
            pltpu.SemaphoreType.DMA,
            pltpu.SemaphoreType.DMA,
            pltpu.SemaphoreType.DMA,
        ],
    )(functools.partial(_sc_body, with_deg))


_sc_conv1 = _make_sc(True)
_sc_conv2 = _make_sc(False)


def _tc_conv_body(agg_ref, deg_ref, W_ref, b_ref, g_ref, be_ref, out_ref):
    a = agg_ref[0, :N, :] + agg_ref[1, :N, :]
    dg = jnp.sum(deg_ref[...], axis=1, keepdims=True)[:N, :]
    a = a * (1.0 / jnp.maximum(dg, 1.0))
    h = jnp.dot(a, W_ref[...], preferred_element_type=jnp.float32) + b_ref[...]
    m = jnp.mean(h, axis=0, keepdims=True)
    hc = h - m
    v = jnp.mean(hc * hc, axis=0, keepdims=True)
    hn = g_ref[...] * hc / jnp.sqrt(v + 1e-5) + be_ref[...]
    out_ref[...] = jnp.maximum(hn, 0.0)


_tc_conv = pl.pallas_call(
    _tc_conv_body,
    out_shape=jax.ShapeDtypeStruct((N, D), jnp.float32),
    in_specs=[pl.BlockSpec(memory_space=pltpu.VMEM)] * 6,
    out_specs=pl.BlockSpec(memory_space=pltpu.VMEM),
)


def _tc_final_body(agg_ref, deg_ref, batch_ref,
                   W_ref, b_ref, g_ref, be_ref,
                   Ws1_ref, bs1_ref, Ws2_ref, bs2_ref,
                   Wh1_ref, bh1_ref, Wh2_ref, bh2_ref, Wh3_ref, bh3_ref,
                   out_ref):
    a = agg_ref[0, :N, :] + agg_ref[1, :N, :]
    dg = jnp.sum(deg_ref[...], axis=1, keepdims=True)[:N, :]
    a = a * (1.0 / jnp.maximum(dg, 1.0))
    h = jnp.dot(a, W_ref[...], preferred_element_type=jnp.float32) + b_ref[...]
    m = jnp.mean(h, axis=0, keepdims=True)
    hc = h - m
    v = jnp.mean(hc * hc, axis=0, keepdims=True)
    hn = g_ref[...] * hc / jnp.sqrt(v + 1e-5) + be_ref[...]
    h2 = jnp.maximum(hn, 0.0)

    gids = lax.broadcasted_iota(jnp.int32, (B, N), 0)
    pmat = jnp.where(gids == batch_ref[...], 1.0 / NODES, 0.0)
    xg = jnp.dot(pmat, h2, preferred_element_type=jnp.float32)

    sh = jnp.maximum(xg, 0.0)
    sh = jnp.dot(sh, Ws1_ref[...], preferred_element_type=jnp.float32) + bs1_ref[...]
    sh = jnp.maximum(jnp.dot(sh, Ws2_ref[...], preferred_element_type=jnp.float32) + bs2_ref[...], 0.0)
    o = jnp.maximum(jnp.dot(sh, Wh1_ref[...], preferred_element_type=jnp.float32) + bh1_ref[...], 0.0)
    o = jnp.maximum(jnp.dot(o, Wh2_ref[...], preferred_element_type=jnp.float32) + bh2_ref[...], 0.0)
    out_ref[...] = jnp.dot(o, Wh3_ref[...], preferred_element_type=jnp.float32) + bh3_ref[...]


_tc_final = pl.pallas_call(
    _tc_final_body,
    out_shape=jax.ShapeDtypeStruct((B, 10), jnp.float32),
    in_specs=[pl.BlockSpec(memory_space=pltpu.VMEM)] * 17,
    out_specs=pl.BlockSpec(memory_space=pltpu.VMEM),
)


def kernel(x, edge_index, batch, W1, b1, g1, be1, W2, b2, g2, be2,
           Ws1, bs1, Ws2, bs2, Wh1, bh1, Wh2, bh2, Wh3, bh3):
    pad = E_PAD - E
    srcp = jnp.concatenate([edge_index[0], jnp.zeros((pad,), jnp.int32)])
    trash = N + (jnp.arange(pad, dtype=jnp.int32) % (N_PAD - N))
    dstp = jnp.concatenate([edge_index[1], trash])

    zrow = jnp.asarray(_ZROW)
    zdeg = jnp.asarray(_ZDEG)

    agg1, deg1 = _sc_conv1(x, srcp, dstp, zrow, zdeg)
    agg1 = agg1.reshape(NC, N_PAD, D)
    deg1 = deg1.reshape(NW, N_PAD).T
    h1 = _tc_conv(agg1, deg1, W1, b1[None, :], g1[None, :], be1[None, :])

    agg2, _ = _sc_conv2(h1, srcp, dstp, zrow, zdeg)
    agg2 = agg2.reshape(NC, N_PAD, D)
    return _tc_final(agg2, deg1, batch[None, :],
                     W2, b2[None, :], g2[None, :], be2[None, :],
                     Ws1, bs1[None, :], Ws2, bs2[None, :],
                     Wh1, bh1[None, :], Wh2, bh2[None, :],
                     Wh3, bh3[None, :])

# --- scband reference (transcript-rebuilt; emitter-appended) ---
"""Pipeline reference for scband-base-55954833932808 (READ-ONLY COPY).

The authoritative reference and input builder live on the scoring server;
editing this copy changes nothing except your own understanding.
"""

import jax, jax.numpy as jnp
import numpy as np

N = 10000
E = 320000
D = 128
B = 100
NODES = 100
DS = 64
DH = 64
HEAD = 10


def setup_inputs(seed: int = 0) -> dict:
    key = jax.random.key(seed)
    ks = jax.random.split(key, 24)
    x = jax.random.normal(ks[0], (N, D), dtype=jnp.float32)
    edge_index = jax.random.randint(ks[1], (2, E), 0, N, dtype=jnp.int32)
    batch = jnp.repeat(jnp.arange(B, dtype=jnp.int32), NODES)
    s = 1.0 / np.sqrt(D)
    inp = {
        'x': x,
        'edge_index': edge_index,
        'batch': batch,
        'W1': jax.random.normal(ks[2], (D, D), dtype=jnp.float32) * s,
        'b1': jnp.zeros((D,), jnp.float32),
        'g1': jnp.ones((D,), jnp.float32),
        'be1': jnp.zeros((D,), jnp.float32),
        'W2': jax.random.normal(ks[3], (D, D), dtype=jnp.float32) * s,
        'b2': jnp.zeros((D,), jnp.float32),
        'g2': jnp.ones((D,), jnp.float32),
        'be2': jnp.zeros((D,), jnp.float32),
        'Ws1': jax.random.normal(ks[4], (D, DS), dtype=jnp.float32) * s,
        'bs1': jnp.zeros((DS,), jnp.float32),
        'Ws2': jax.random.normal(ks[5], (DS, DS), dtype=jnp.float32) * (1.0 / np.sqrt(DS)),
        'bs2': jnp.zeros((DS,), jnp.float32),
        'Wh1': jax.random.normal(ks[6], (DS, DH), dtype=jnp.float32) * (1.0 / np.sqrt(DS)),
        'bh1': jnp.zeros((DH,), jnp.float32),
        'Wh2': jax.random.normal(ks[7], (DH, DH), dtype=jnp.float32) * (1.0 / np.sqrt(DH)),
        'bh2': jnp.zeros((DH,), jnp.float32),
        'Wh3': jax.random.normal(ks[8], (DH, HEAD), dtype=jnp.float32) * (1.0 / np.sqrt(DH)),
        'bh3': jnp.zeros((HEAD,), jnp.float32),
    }
    return inp


def _conv(x, edge_index, W, b):
    # mean-aggregation message passing conv: gather src feats, scatter-add to dst, normalize by in-degree
    src = edge_index[0]
    dst = edge_index[1]
    msg = jnp.take(x, src, axis=0)
    agg = jax.ops.segment_sum(msg, dst, num_segments=N)
    deg = jax.ops.segment_sum(jnp.ones((edge_index.shape[1],), x.dtype), dst, num_segments=N)
    agg = agg / jnp.clip(deg, 1.0)[:, None]
    return agg @ W + b


def _bn(h, g, be):
    m = jnp.mean(h, axis=0)
    v = jnp.var(h, axis=0)
    return g * (h - m) / jnp.sqrt(v + 1e-5) + be


def reference(x, edge_index, batch, W1, b1, g1, be1, W2, b2, g2, be2, Ws1, bs1, Ws2, bs2, Wh1, bh1, Wh2, bh2, Wh3, bh3):
    # conv + batchnorm + relu stack
    h = jax.nn.relu(_bn(_conv(x, edge_index, W1, b1), g1, be1))
    h = jax.nn.relu(_bn(_conv(h, edge_index, W2, b2), g2, be2))
    # global_mean_pool over graph ids
    counts = jax.ops.segment_sum(jnp.ones((N,), h.dtype), batch, num_segments=B)
    x_graph = jax.ops.segment_sum(h, batch, num_segments=B) / counts[:, None]
    # graph_shared: ReLU, Linear(hidden, DS), Linear(DS, DS), ReLU
    s = jax.nn.relu(x_graph)
    s = s @ Ws1 + bs1
    s = jax.nn.relu(s @ Ws2 + bs2)
    # graph head: Linear, ReLU, Linear, ReLU, Linear -> head_dim
    o = jax.nn.relu(s @ Wh1 + bh1)
    o = jax.nn.relu(o @ Wh2 + bh2)
    o = o @ Wh3 + bh3
    return o

if __name__ == "__main__":
    import jax
    _d = setup_inputs()
    print(jax.jit(kernel)(*tuple(_d.values())))

</pallas_src>

<mosaic_0001>
#map = affine_map<(d0, d1) -> (0, 0)>
#map1 = affine_map<(d0, d1) -> (0)>
module attributes {stable_mosaic.version = 14 : i64} {
  func.func @_sc_body(%arg0: i32, %arg1: i32, %arg2: memref<10000x128xf32, #tpu.memory_space<hbm>>, %arg3: memref<320000xi32, #tpu.memory_space<hbm>>, %arg4: memref<320000xi32, #tpu.memory_space<hbm>>, %arg5: memref<10112x128xf32, #tpu.memory_space<hbm>>, %arg6: memref<10112xf32, #tpu.memory_space<hbm>>, %arg7: memref<20224x128xf32, #tpu.memory_space<hbm>>, %arg8: memref<323584xf32, #tpu.memory_space<hbm>>, %arg9: memref<10112x128xf32, #tpu.memory_space<vmem_shared>>, %arg10: memref<10240xi32, #tpu.memory_space<vmem>>, %arg11: memref<80x128xf32, #tpu.memory_space<vmem>>, %arg12: memref<80x128xf32, #tpu.memory_space<vmem>>, %arg13: memref<80xi32, #tpu.memory_space<vmem>>, %arg14: memref<80xi32, #tpu.memory_space<vmem>>, %arg15: memref<10112xf32, #tpu.memory_space<vmem>>, %arg16: memref<!tpu.dma_semaphore, #tpu.memory_space<semaphore_mem>>, %arg17: memref<!tpu.dma_semaphore, #tpu.memory_space<semaphore_mem>>, %arg18: memref<!tpu.dma_semaphore, #tpu.memory_space<semaphore_mem>>, %arg19: memref<!tpu.dma_semaphore, #tpu.memory_space<semaphore_mem>>, %arg20: memref<!tpu.dma_semaphore, #tpu.memory_space<semaphore_mem>>) attributes {dimension_semantics = [#tpu.dimension_semantics<core_parallel>, #tpu.dimension_semantics<subcore_parallel>], iteration_bounds = array<i64: 2, 16>, scalar_prefetch = 0 : i64, scratch_operands = 12 : i64, tpu.core_type = #tpu.core_type<sc_vector_subcore>, window_params = [{transform_indices = #map}, {transform_indices = #map1}, {transform_indices = #map1}, {transform_indices = #map}, {transform_indices = #map1}, {transform_indices = #map}, {transform_indices = #map1}]} {
    %mul3A = arith.constant 16 : i32
    %mul3A_0 = arith.muli %arg0, %mul3A : i32
    %add3A = arith.addi %mul3A_0, %arg1 : i32
    %eq3A = arith.constant 0 : i32
    %eq3A_1 = arith.cmpi eq, %arg0, %eq3A : i32
    %jit3A = arith.constant 128 : i32
    %jit3A_2 = arith.constant 122 : i32
    %select_n3A = arith.select %eq3A_1, %jit3A, %jit3A_2 : i32
    %eq3A_3 = arith.constant 0 : i32
    %eq3A_4 = arith.cmpi eq, %arg0, %eq3A_3 : i32
    %mul3A_5 = arith.constant 10240 : i32
    %mul3A_6 = arith.muli %arg1, %mul3A_5 : i32
    %mul3A_7 = arith.constant 9760 : i32
    %mul3A_8 = arith.muli %arg1, %mul3A_7 : i32
    %add3A_9 = arith.constant 163840 : i32
    %add3A_10 = arith.addi %add3A_9, %mul3A_8 : i32
    %select_n3A_11 = arith.select %eq3A_4, %mul3A_6, %add3A_10 : i32
    %eq3A_12 = arith.constant 0 : i32
    %eq3A_13 = arith.cmpi eq, %arg0, %eq3A_12 : i32
    %convert_element_type3A = arith.extui %eq3A_13 : i1 to i32
    %cond3A = arith.constant 0 : i32
    %cond3A_14 = arith.cmpi ne, %convert_element_type3A, %cond3A : i32
    scf.if %cond3A_14 {
      "tpu.region"() ({
        %run_scoped3A = tpu.sem_alloc : memref<!tpu.dma_semaphore, #tpu.memory_space<semaphore_mem>>
        %dma_start3A_76 = tpu.memref_slice %arg3[%select_n3A_11] : memref<320000xi32, #tpu.memory_space<hbm>> -> memref<10240xi32, #tpu.memory_space<hbm>>
        %dma_start3A_77 = tpu.memref_slice %arg3[%select_n3A_11] : memref<320000xi32, #tpu.memory_space<hbm>> -> memref<10240xi32, #tpu.memory_space<hbm>>
        tpu.enqueue_dma source(%dma_start3A_77 : memref<10240xi32, #tpu.memory_space<hbm>>) target(%arg10 : memref<10240xi32, #tpu.memory_space<vmem>>) target_semaphore(%run_scoped3A : memref<!tpu.dma_semaphore, #tpu.memory_space<semaphore_mem>>)
        %dma_wait3A = tpu.memref_slice %arg3[%select_n3A_11] : memref<320000xi32, #tpu.memory_space<hbm>> -> memref<10240xi32, #tpu.memory_space<hbm>>
        %dma_wait3A_78 = tpu.memref_slice %arg3[%select_n3A_11] : memref<320000xi32, #tpu.memory_space<hbm>> -> memref<10240xi32, #tpu.memory_space<hbm>>
        tpu.wait_dma2 semaphore(%run_scoped3A : memref<!tpu.dma_semaphore, #tpu.memory_space<semaphore_mem>>) src(%dma_wait3A_78 : memref<10240xi32, #tpu.memory_space<hbm>>) dst(%arg10 : memref<10240xi32, #tpu.memory_space<vmem>>)
        tpu.yield
      }) : () -> ()
    } else {
    }
    %eq3A_15 = arith.constant 1 : i32
    %eq3A_16 = arith.cmpi eq, %arg0, %eq3A_15 : i32
    %convert_element_type3A_17 = arith.extui %eq3A_16 : i1 to i32
    %cond3A_18 = arith.constant 0 : i32
    %cond3A_19 = arith.cmpi ne, %convert_element_type3A_17, %cond3A_18 : i32
    scf.if %cond3A_19 {
      "tpu.region"() ({
        %run_scoped3A = tpu.sem_alloc : memref<!tpu.dma_semaphore, #tpu.memory_space<semaphore_mem>>
        %dma_start3A_76 = arith.constant 0 : i32
        %dma_start3A_77 = tpu.memref_slice %arg10[%dma_start3A_76] : memref<10240xi32, #tpu.memory_space<vmem>> -> memref<9760xi32, #tpu.memory_space<vmem>>
        %dma_start3A_78 = tpu.memref_slice %arg3[%select_n3A_11] : memref<320000xi32, #tpu.memory_space<hbm>> -> memref<9760xi32, #tpu.memory_space<hbm>>
        %dma_start3A_79 = arith.constant 0 : i32
        %dma_start3A_80 = tpu.memref_slice %arg10[%dma_start3A_79] : memref<10240xi32, #tpu.memory_space<vmem>> -> memref<9760xi32, #tpu.memory_space<vmem>>
        %dma_start3A_81 = tpu.memref_slice %arg3[%select_n3A_11] : memref<320000xi32, #tpu.memory_space<hbm>> -> memref<9760xi32, #tpu.memory_space<hbm>>
        tpu.enqueue_dma source(%dma_start3A_81 : memref<9760xi32, #tpu.memory_space<hbm>>) target(%dma_start3A_80 : memref<9760xi32, #tpu.memory_space<vmem>>) target_semaphore(%run_scoped3A : memref<!tpu.dma_semaphore, #tpu.memory_space<semaphore_mem>>)
        %dma_wait3A = arith.constant 0 : i32
        %dma_wait3A_82 = tpu.memref_slice %arg10[%dma_wait3A] : memref<10240xi32, #tpu.memory_space<vmem>> -> memref<9760xi32, #tpu.memory_space<vmem>>
        %dma_wait3A_83 = tpu.memref_slice %arg3[%select_n3A_11] : memref<320000xi32, #tpu.memory_space<hbm>> -> memref<9760xi32, #tpu.memory_space<hbm>>
        %dma_wait3A_84 = arith.constant 0 : i32
        %dma_wait3A_85 = tpu.memref_slice %arg10[%dma_wait3A_84] : memref<10240xi32, #tpu.memory_space<vmem>> -> memref<9760xi32, #tpu.memory_space<vmem>>
        %dma_wait3A_86 = tpu.memref_slice %arg3[%select_n3A_11] : memref<320000xi32, #tpu.memory_space<hbm>> -> memref<9760xi32, #tpu.memory_space<hbm>>
        tpu.wait_dma2 semaphore(%run_scoped3A : memref<!tpu.dma_semaphore, #tpu.memory_space<semaphore_mem>>) src(%dma_wait3A_86 : memref<9760xi32, #tpu.memory_space<hbm>>) dst(%dma_wait3A_85 : memref<9760xi32, #tpu.memory_space<vmem>>)
        tpu.yield
      }) : () -> ()
    } else {
    }
    %mul3A_20 = arith.constant 632 : i32
    %mul3A_21 = arith.muli %arg1, %mul3A_20 : i32
    %mul3A_22 = arith.constant 632 : i32
    %mul3A_23 = arith.muli %arg1, %mul3A_22 : i32
    "tpu.region"() ({
      %run_scoped3A = tpu.sem_alloc : memref<!tpu.dma_semaphore, #tpu.memory_space<semaphore_mem>>
      %dma_start3A_76 = arith.constant 0 : i32
      %dma_start3A_77 = tpu.memref_slice %arg9[%mul3A_23, %dma_start3A_76] : memref<10112x128xf32, #tpu.memory_space<vmem_shared>> -> memref<632x128xf32, #tpu.memory_space<vmem_shared>>
      %dma_start3A_78 = arith.constant 0 : i32
      %dma_start3A_79 = tpu.memref_slice %arg5[%mul3A_21, %dma_start3A_78] : memref<10112x128xf32, #tpu.memory_space<hbm>> -> memref<632x128xf32, #tpu.memory_space<hbm>>
      tpu.enqueue_dma source(%dma_start3A_79 : memref<632x128xf32, #tpu.memory_space<hbm>>) target(%dma_start3A_77 : memref<632x128xf32, #tpu.memory_space<vmem_shared>>) target_semaphore(%run_scoped3A : memref<!tpu.dma_semaphore, #tpu.memory_space<semaphore_mem>>)
      %dma_wait3A = arith.constant 0 : i32
      %dma_wait3A_80 = tpu.memref_slice %arg9[%mul3A_23, %dma_wait3A] : memref<10112x128xf32, #tpu.memory_space<vmem_shared>> -> memref<632x128xf32, #tpu.memory_space<vmem_shared>>
      %dma_wait3A_81 = arith.constant 0 : i32
      %dma_wait3A_82 = tpu.memref_slice %arg5[%mul3A_21, %dma_wait3A_81] : memref<10112x128xf32, #tpu.memory_space<hbm>> -> memref<632x128xf32, #tpu.memory_space<hbm>>
      tpu.wait_dma2 semaphore(%run_scoped3A : memref<!tpu.dma_semaphore, #tpu.memory_space<semaphore_mem>>) src(%dma_wait3A_82 : memref<632x128xf32, #tpu.memory_space<hbm>>) dst(%dma_wait3A_80 : memref<632x128xf32, #tpu.memory_space<vmem_shared>>)
      tpu.yield
    }) : () -> ()
    %barrier3A = arith.constant 0 : index
    tpu.barrier barrier_id(%barrier3A)
    %dma_start3A = arith.constant 0 : i32
    %dma_start3A_24 = tpu.memref_slice %arg10[%dma_start3A] : memref<10240xi32, #tpu.memory_space<vmem>> -> memref<80xi32, #tpu.memory_space<vmem>>
    %dma_start3A_25 = arith.constant 0 : i32
    %dma_start3A_26 = arith.constant 0 : i32
    %dma_start3A_27 = tpu.memref_slice %arg2[%dma_start3A_25, %dma_start3A_26] : memref<10000x128xf32, #tpu.memory_space<hbm>> -> memref<10000x128xf32, #tpu.memory_space<hbm>>
    tpu.enqueue_indirect_dma source(%dma_start3A_27 : memref<10000x128xf32, #tpu.memory_space<hbm>>) target(%arg11 : memref<80x128xf32, #tpu.memory_space<vmem>>) offsets(%dma_start3A_24 : memref<80xi32, #tpu.memory_space<vmem>>) semaphore(%arg16 : memref<!tpu.dma_semaphore, #tpu.memory_space<semaphore_mem>>)
    %add3A_28 = arith.constant 0 : i32
    %add3A_29 = arith.addi %select_n3A_11, %add3A_28 : i32
    %dma_start3A_30 = tpu.memref_slice %arg4[%add3A_29] : memref<320000xi32, #tpu.memory_space<hbm>> -> memref<80xi32, #tpu.memory_space<hbm>>
    %dma_start3A_31 = tpu.memref_slice %arg4[%add3A_29] : memref<320000xi32, #tpu.memory_space<hbm>> -> memref<80xi32, #tpu.memory_space<hbm>>
    tpu.enqueue_dma source(%dma_start3A_31 : memref<80xi32, #tpu.memory_space<hbm>>) target(%arg13 : memref<80xi32, #tpu.memory_space<vmem>>) target_semaphore(%arg18 : memref<!tpu.dma_semaphore, #tpu.memory_space<semaphore_mem>>)
    %dma_start3A_32 = arith.constant 80 : i32
    %dma_start3A_33 = tpu.memref_slice %arg10[%dma_start3A_32] : memref<10240xi32, #tpu.memory_space<vmem>> -> memref<80xi32, #tpu.memory_space<vmem>>
    %dma_start3A_34 = arith.constant 0 : i32
    %dma_start3A_35 = arith.constant 0 : i32
    %dma_start3A_36 = tpu.memref_slice %arg2[%dma_start3A_34, %dma_start3A_35] : memref<10000x128xf32, #tpu.memory_space<hbm>> -> memref<10000x128xf32, #tpu.memory_space<hbm>>
    tpu.enqueue_indirect_dma source(%dma_start3A_36 : memref<10000x128xf32, #tpu.memory_space<hbm>>) target(%arg12 : memref<80x128xf32, #tpu.memory_space<vmem>>) offsets(%dma_start3A_33 : memref<80xi32, #tpu.memory_space<vmem>>) semaphore(%arg17 : memref<!tpu.dma_semaphore, #tpu.memory_space<semaphore_mem>>)
    %add3A_37 = arith.constant 80 : i32
    %add3A_38 = arith.addi %select_n3A_11, %add3A_37 : i32
    %dma_start3A_39 = tpu.memref_slice %arg4[%add3A_38] : memref<320000xi32, #tpu.memory_space<hbm>> -> memref<80xi32, #tpu.memory_space<hbm>>
    %dma_start3A_40 = tpu.memref_slice %arg4[%add3A_38] : memref<320000xi32, #tpu.memory_space<hbm>> -> memref<80xi32, #tpu.memory_space<hbm>>
    tpu.enqueue_dma source(%dma_start3A_40 : memref<80xi32, #tpu.memory_space<hbm>>) target(%arg14 : memref<80xi32, #tpu.memory_space<vmem>>) target_semaphore(%arg19 : memref<!tpu.dma_semaphore, #tpu.memory_space<semaphore_mem>>)
    %jit3A_41 = arith.constant 2 : i32
    %div3A = arith.divsi %select_n3A, %jit3A_41 : i32
    %sign3A = arith.constant 0 : i32
    %sign3A_42 = arith.cmpi sgt, %select_n3A, %sign3A : i32
    %sign3A_43 = arith.extui %sign3A_42 : i1 to i32
    %sign3A_44 = arith.constant 0 : i32
    %sign3A_45 = arith.cmpi slt, %select_n3A, %sign3A_44 : i32
    %sign3A_46 = arith.extui %sign3A_45 : i1 to i32
    %sign3A_47 = arith.subi %sign3A_43, %sign3A_46 : i32
    %sign3A_48 = arith.constant 0 : i32
    %sign3A_49 = arith.cmpi sgt, %jit3A_41, %sign3A_48 : i32
    %sign3A_50 = arith.extui %sign3A_49 : i1 to i32
    %sign3A_51 = arith.constant 0 : i32
    %sign3A_52 = arith.cmpi slt, %jit3A_41, %sign3A_51 : i32
    %sign3A_53 = arith.extui %sign3A_52 : i1 to i32
    %sign3A_54 = arith.subi %sign3A_50, %sign3A_53 : i32
    %ne3A = arith.cmpi ne, %sign3A_47, %sign3A_54 : i32
    %rem3A = arith.remsi %select_n3A, %jit3A_41 : i32
    %ne3A_55 = arith.constant 0 : i32
    %ne3A_56 = arith.cmpi ne, %rem3A, %ne3A_55 : i32
    %and3A = arith.andi %ne3A, %ne3A_56 : i1
    %sub3A = arith.constant 1 : i32
    %sub3A_57 = arith.subi %div3A, %sub3A : i32
    %select_n3A_58 = arith.select %and3A, %sub3A_57, %div3A : i32
    %while3A = arith.constant 0 : i32
    %while3A_59 = arith.constant 0 : i32
    %while3A_60 = arith.subi %select_n3A_58, %while3A_59 : i32
    %while3A_61 = arith.addi %while3A_59, %while3A_60 : i32
    %while3A_62 = arith.constant 1 : i32
    %while3A_63 = arith.divsi %while3A_60, %while3A_62 : i32
    %while3A_64 = arith.muli %while3A_63, %while3A_62 : i32
    %while3A_65 = arith.addi %while3A_59, %while3A_64 : i32
    %while3A_66 = arith.constant 1 : i32
    scf.for %while3A_76 = %while3A_59 to %while3A_65 step %while3A_66  : i32 {
      %mul3A_77 = arith.constant 2 : i32
      %mul3A_78 = arith.muli %while3A_76, %mul3A_77 : i32
      %add3A_79 = arith.constant 0 : i32
      %add3A_80 = arith.addi %mul3A_78, %add3A_79 : i32
      %mul3A_81 = arith.constant 80 : i32
      %mul3A_82 = arith.muli %add3A_80, %mul3A_81 : i32
      %dma_wait3A = tpu.memref_slice %arg10[%mul3A_82] : memref<10240xi32, #tpu.memory_space<vmem>> -> memref<80xi32, #tpu.memory_space<vmem>>
      %dma_wait3A_83 = arith.constant 0 : i32
      %dma_wait3A_84 = arith.constant 0 : i32
      %dma_wait3A_85 = tpu.memref_slice %arg2[%dma_wait3A_83, %dma_wait3A_84] : memref<10000x128xf32, #tpu.memory_space<hbm>> -> memref<10000x128xf32, #tpu.memory_space<hbm>>
      tpu.wait_indirect_dma semaphore(%arg16 : memref<!tpu.dma_semaphore, #tpu.memory_space<semaphore_mem>>) src(%dma_wait3A_85 : memref<10000x128xf32, #tpu.memory_space<hbm>>) dst(%arg11 : memref<80x128xf32, #tpu.memory_space<vmem>>)
      %mul3A_86 = arith.constant 80 : i32
      %mul3A_87 = arith.muli %add3A_80, %mul3A_86 : i32
      %add3A_88 = arith.addi %select_n3A_11, %mul3A_87 : i32
      %dma_wait3A_89 = tpu.memref_slice %arg4[%add3A_88] : memref<320000xi32, #tpu.memory_space<hbm>> -> memref<80xi32, #tpu.memory_space<hbm>>
      %dma_wait3A_90 = tpu.memref_slice %arg4[%add3A_88] : memref<320000xi32, #tpu.memory_space<hbm>> -> memref<80xi32, #tpu.memory_space<hbm>>
      tpu.wait_dma2 semaphore(%arg18 : memref<!tpu.dma_semaphore, #tpu.memory_space<semaphore_mem>>) src(%dma_wait3A_90 : memref<80xi32, #tpu.memory_space<hbm>>) dst(%arg13 : memref<80xi32, #tpu.memory_space<vmem>>)
      %dma_start3A_91 = arith.constant 0 : i32
      %dma_start3A_92 = arith.constant 0 : i32
      %dma_start3A_93 = tpu.memref_slice %arg9[%dma_start3A_91, %dma_start3A_92] : memref<10112x128xf32, #tpu.memory_space<vmem_shared>> -> memref<10112x128xf32, #tpu.memory_space<vmem_shared>>
      tpu.enqueue_indirect_dma source(%arg11 : memref<80x128xf32, #tpu.memory_space<vmem>>) target(%dma_start3A_93 : memref<10112x128xf32, #tpu.memory_space<vmem_shared>>) offsets(%arg13 : memref<80xi32, #tpu.memory_space<vmem>>) semaphore(%arg20 : memref<!tpu.dma_semaphore, #tpu.memory_space<semaphore_mem>>) {add = true}
      %dma_wait3A_94 = arith.constant 0 : i32
      %dma_wait3A_95 = arith.constant 0 : i32
      %dma_wait3A_96 = tpu.memref_slice %arg9[%dma_wait3A_94, %dma_wait3A_95] : memref<10112x128xf32, #tpu.memory_space<vmem_shared>> -> memref<10112x128xf32, #tpu.memory_space<vmem_shared>>
      tpu.wait_indirect_dma semaphore(%arg20 : memref<!tpu.dma_semaphore, #tpu.memory_space<semaphore_mem>>) src(%arg11 : memref<80x128xf32, #tpu.memory_space<vmem>>) dst(%dma_wait3A_96 : memref<10112x128xf32, #tpu.memory_space<vmem_shared>>)
      %add3A_97 = arith.constant 2 : i32
      %add3A_98 = arith.addi %add3A_80, %add3A_97 : i32
      %lt3A = arith.cmpi slt, %add3A_98, %select_n3A : i32
      %convert_element_type3A_99 = arith.extui %lt3A : i1 to i32
      %cond3A_100 = arith.constant 0 : i32
      %cond3A_101 = arith.cmpi ne, %convert_element_type3A_99, %cond3A_100 : i32
      scf.if %cond3A_101 {
        %add3A_129 = arith.constant 2 : i32
        %add3A_130 = arith.addi %add3A_80, %add3A_129 : i32
        %mul3A_131 = arith.constant 80 : i32
        %mul3A_132 = arith.muli %add3A_130, %mul3A_131 : i32
        %dma_start3A_133 = tpu.memref_slice %arg10[%mul3A_132] : memref<10240xi32, #tpu.memory_space<vmem>> -> memref<80xi32, #tpu.memory_space<vmem>>
        %dma_start3A_134 = arith.constant 0 : i32
        %dma_start3A_135 = arith.constant 0 : i32
        %dma_start3A_136 = tpu.memref_slice %arg2[%dma_start3A_134, %dma_start3A_135] : memref<10000x128xf32, #tpu.memory_space<hbm>> -> memref<10000x128xf32, #tpu.memory_space<hbm>>
        tpu.enqueue_indirect_dma source(%dma_start3A_136 : memref<10000x128xf32, #tpu.memory_space<hbm>>) target(%arg11 : memref<80x128xf32, #tpu.memory_space<vmem>>) offsets(%dma_start3A_133 : memref<80xi32, #tpu.memory_space<vmem>>) semaphore(%arg16 : memref<!tpu.dma_semaphore, #tpu.memory_space<semaphore_mem>>)
        %add3A_137 = arith.constant 2 : i32
        %add3A_138 = arith.addi %add3A_80, %add3A_137 : i32
        %mul3A_139 = arith.constant 80 : i32
        %mul3A_140 = arith.muli %add3A_138, %mul3A_139 : i32
        %add3A_141 = arith.addi %select_n3A_11, %mul3A_140 : i32
        %dma_start3A_142 = tpu.memref_slice %arg4[%add3A_141] : memref<320000xi32, #tpu.memory_space<hbm>> -> memref<80xi32, #tpu.memory_space<hbm>>
        %dma_start3A_143 = tpu.memref_slice %arg4[%add3A_141] : memref<320000xi32, #tpu.memory_space<hbm>> -> memref<80xi32, #tpu.memory_space<hbm>>
        tpu.enqueue_dma source(%dma_start3A_143 : memref<80xi32, #tpu.memory_space<hbm>>) target(%arg13 : memref<80xi32, #tpu.memory_space<vmem>>) target_semaphore(%arg18 : memref<!tpu.dma_semaphore, #tpu.memory_space<semaphore_mem>>)
      } else {
      }
      %mul3A_102 = arith.constant 2 : i32
      %mul3A_103 = arith.muli %while3A_76, %mul3A_102 : i32
      %add3A_104 = arith.constant 1 : i32
      %add3A_105 = arith.addi %mul3A_103, %add3A_104 : i32
      %mul3A_106 = arith.constant 80 : i32
      %mul3A_107 = arith.muli %add3A_105, %mul3A_106 : i32
      %dma_wait3A_108 = tpu.memref_slice %arg10[%mul3A_107] : memref<10240xi32, #tpu.memory_space<vmem>> -> memref<80xi32, #tpu.memory_space<vmem>>
      %dma_wait3A_109 = arith.constant 0 : i32
      %dma_wait3A_110 = arith.constant 0 : i32
      %dma_wait3A_111 = tpu.memref_slice %arg2[%dma_wait3A_109, %dma_wait3A_110] : memref<10000x128xf32, #tpu.memory_space<hbm>> -> memref<10000x128xf32, #tpu.memory_space<hbm>>
      tpu.wait_indirect_dma semaphore(%arg17 : memref<!tpu.dma_semaphore, #tpu.memory_space<semaphore_mem>>) src(%dma_wait3A_111 : memref<10000x128xf32, #tpu.memory_space<hbm>>) dst(%arg12 : memref<80x128xf32, #tpu.memory_space<vmem>>)
      %mul3A_112 = arith.constant 80 : i32
      %mul3A_113 = arith.muli %add3A_105, %mul3A_112 : i32
      %add3A_114 = arith.addi %select_n3A_11, %mul3A_113 : i32
      %dma_wait3A_115 = tpu.memref_slice %arg4[%add3A_114] : memref<320000xi32, #tpu.memory_space<hbm>> -> memref<80xi32, #tpu.memory_space<hbm>>
      %dma_wait3A_116 = tpu.memref_slice %arg4[%add3A_114] : memref<320000xi32, #tpu.memory_space<hbm>> -> memref<80xi32, #tpu.memory_space<hbm>>
      tpu.wait_dma2 semaphore(%arg19 : memref<!tpu.dma_semaphore, #tpu.memory_space<semaphore_mem>>) src(%dma_wait3A_116 : memref<80xi32, #tpu.memory_space<hbm>>) dst(%arg14 : memref<80xi32, #tpu.memory_space<vmem>>)
      %dma_start3A_117 = arith.constant 0 : i32
      %dma_start3A_118 = arith.constant 0 : i32
      %dma_start3A_119 = tpu.memref_slice %arg9[%dma_start3A_117, %dma_start3A_118] : memref<10112x128xf32, #tpu.memory_space<vmem_shared>> -> memref<10112x128xf32, #tpu.memory_space<vmem_shared>>
      tpu.enqueue_indirect_dma source(%arg12 : memref<80x128xf32, #tpu.memory_space<vmem>>) target(%dma_start3A_119 : memref<10112x128xf32, #tpu.memory_space<vmem_shared>>) offsets(%arg14 : memref<80xi32, #tpu.memory_space<vmem>>) semaphore(%arg20 : memref<!tpu.dma_semaphore, #tpu.memory_space<semaphore_mem>>) {add = true}
      %dma_wait3A_120 = arith.constant 0 : i32
      %dma_wait3A_121 = arith.constant 0 : i32
      %dma_wait3A_122 = tpu.memref_slice %arg9[%dma_wait3A_120, %dma_wait3A_121] : memref<10112x128xf32, #tpu.memory_space<vmem_shared>> -> memref<10112x128xf32, #tpu.memory_space<vmem_shared>>
      tpu.wait_indirect_dma semaphore(%arg20 : memref<!tpu.dma_semaphore, #tpu.memory_space<semaphore_mem>>) src(%arg12 : memref<80x128xf32, #tpu.memory_space<vmem>>) dst(%dma_wait3A_122 : memref<10112x128xf32, #tpu.memory_space<vmem_shared>>)
      %add3A_123 = arith.constant 2 : i32
      %add3A_124 = arith.addi %add3A_105, %add3A_123 : i32
      %lt3A_125 = arith.cmpi slt, %add3A_124, %select_n3A : i32
      %convert_element_type3A_126 = arith.extui %lt3A_125 : i1 to i32
      %cond3A_127 = arith.constant 0 : i32
      %cond3A_128 = arith.cmpi ne, %convert_element_type3A_126, %cond3A_127 : i32
      scf.if %cond3A_128 {
        %add3A_129 = arith.constant 2 : i32
        %add3A_130 = arith.addi %add3A_105, %add3A_129 : i32
        %mul3A_131 = arith.constant 80 : i32
        %mul3A_132 = arith.muli %add3A_130, %mul3A_131 : i32
        %dma_start3A_133 = tpu.memref_slice %arg10[%mul3A_132] : memref<10240xi32, #tpu.memory_space<vmem>> -> memref<80xi32, #tpu.memory_space<vmem>>
        %dma_start3A_134 = arith.constant 0 : i32
        %dma_start3A_135 = arith.constant 0 : i32
        %dma_start3A_136 = tpu.memref_slice %arg2[%dma_start3A_134, %dma_start3A_135] : memref<10000x128xf32, #tpu.memory_space<hbm>> -> memref<10000x128xf32, #tpu.memory_space<hbm>>
        tpu.enqueue_indirect_dma source(%dma_start3A_136 : memref<10000x128xf32, #tpu.memory_space<hbm>>) target(%arg12 : memref<80x128xf32, #tpu.memory_space<vmem>>) offsets(%dma_start3A_133 : memref<80xi32, #tpu.memory_space<vmem>>) semaphore(%arg17 : memref<!tpu.dma_semaphore, #tpu.memory_space<semaphore_mem>>)
        %add3A_137 = arith.constant 2 : i32
        %add3A_138 = arith.addi %add3A_105, %add3A_137 : i32
        %mul3A_139 = arith.constant 80 : i32
        %mul3A_140 = arith.muli %add3A_138, %mul3A_139 : i32
        %add3A_141 = arith.addi %select_n3A_11, %mul3A_140 : i32
        %dma_start3A_142 = tpu.memref_slice %arg4[%add3A_141] : memref<320000xi32, #tpu.memory_space<hbm>> -> memref<80xi32, #tpu.memory_space<hbm>>
        %dma_start3A_143 = tpu.memref_slice %arg4[%add3A_141] : memref<320000xi32, #tpu.memory_space<hbm>> -> memref<80xi32, #tpu.memory_space<hbm>>
        tpu.enqueue_dma source(%dma_start3A_143 : memref<80xi32, #tpu.memory_space<hbm>>) target(%arg14 : memref<80xi32, #tpu.memory_space<vmem>>) target_semaphore(%arg19 : memref<!tpu.dma_semaphore, #tpu.memory_space<semaphore_mem>>)
      } else {
      }
    }
    %while3A_67 = arith.constant 1 : i32
    scf.for %while3A_76 = %while3A_65 to %while3A_61 step %while3A_67  : i32 {
      %mul3A_77 = arith.constant 2 : i32
      %mul3A_78 = arith.muli %while3A_76, %mul3A_77 : i32
      %add3A_79 = arith.constant 0 : i32
      %add3A_80 = arith.addi %mul3A_78, %add3A_79 : i32
      %mul3A_81 = arith.constant 80 : i32
      %mul3A_82 = arith.muli %add3A_80, %mul3A_81 : i32
      %dma_wait3A = tpu.memref_slice %arg10[%mul3A_82] : memref<10240xi32, #tpu.memory_space<vmem>> -> memref<80xi32, #tpu.memory_space<vmem>>
      %dma_wait3A_83 = arith.constant 0 : i32
      %dma_wait3A_84 = arith.constant 0 : i32
      %dma_wait3A_85 = tpu.memref_slice %arg2[%dma_wait3A_83, %dma_wait3A_84] : memref<10000x128xf32, #tpu.memory_space<hbm>> -> memref<10000x128xf32, #tpu.memory_space<hbm>>
      tpu.wait_indirect_dma semaphore(%arg16 : memref<!tpu.dma_semaphore, #tpu.memory_space<semaphore_mem>>) src(%dma_wait3A_85 : memref<10000x128xf32, #tpu.memory_space<hbm>>) dst(%arg11 : memref<80x128xf32, #tpu.memory_space<vmem>>)
      %mul3A_86 = arith.constant 80 : i32
      %mul3A_87 = arith.muli %add3A_80, %mul3A_86 : i32
      %add3A_88 = arith.addi %select_n3A_11, %mul3A_87 : i32
      %dma_wait3A_89 = tpu.memref_slice %arg4[%add3A_88] : memref<320000xi32, #tpu.memory_space<hbm>> -> memref<80xi32, #tpu.memory_space<hbm>>
      %dma_wait3A_90 = tpu.memref_slice %arg4[%add3A_88] : memref<320000xi32, #tpu.memory_space<hbm>> -> memref<80xi32, #tpu.memory_space<hbm>>
      tpu.wait_dma2 semaphore(%arg18 : memref<!tpu.dma_semaphore, #tpu.memory_space<semaphore_mem>>) src(%dma_wait3A_90 : memref<80xi32, #tpu.memory_space<hbm>>) dst(%arg13 : memref<80xi32, #tpu.memory_space<vmem>>)
      %dma_start3A_91 = arith.constant 0 : i32
      %dma_start3A_92 = arith.constant 0 : i32
      %dma_start3A_93 = tpu.memref_slice %arg9[%dma_start3A_91, %dma_start3A_92] : memref<10112x128xf32, #tpu.memory_space<vmem_shared>> -> memref<10112x128xf32, #tpu.memory_space<vmem_shared>>
      tpu.enqueue_indirect_dma source(%arg11 : memref<80x128xf32, #tpu.memory_space<vmem>>) target(%dma_start3A_93 : memref<10112x128xf32, #tpu.memory_space<vmem_shared>>) offsets(%arg13 : memref<80xi32, #tpu.memory_space<vmem>>) semaphore(%arg20 : memref<!tpu.dma_semaphore, #tpu.memory_space<semaphore_mem>>) {add = true}
      %dma_wait3A_94 = arith.constant 0 : i32
      %dma_wait3A_95 = arith.constant 0 : i32
      %dma_wait3A_96 = tpu.memref_slice %arg9[%dma_wait3A_94, %dma_wait3A_95] : memref<10112x128xf32, #tpu.memory_space<vmem_shared>> -> memref<10112x128xf32, #tpu.memory_space<vmem_shared>>
      tpu.wait_indirect_dma semaphore(%arg20 : memref<!tpu.dma_semaphore, #tpu.memory_space<semaphore_mem>>) src(%arg11 : memref<80x128xf32, #tpu.memory_space<vmem>>) dst(%dma_wait3A_96 : memref<10112x128xf32, #tpu.memory_space<vmem_shared>>)
      %add3A_97 = arith.constant 2 : i32
      %add3A_98 = arith.addi %add3A_80, %add3A_97 : i32
      %lt3A = arith.cmpi slt, %add3A_98, %select_n3A : i32
      %convert_element_type3A_99 = arith.extui %lt3A : i1 to i32
      %cond3A_100 = arith.constant 0 : i32
      %cond3A_101 = arith.cmpi ne, %convert_element_type3A_99, %cond3A_100 : i32
      scf.if %cond3A_101 {
        %add3A_129 = arith.constant 2 : i32
        %add3A_130 = arith.addi %add3A_80, %add3A_129 : i32
        %mul3A_131 = arith.constant 80 : i32
        %mul3A_132 = arith.muli %add3A_130, %mul3A_131 : i32
        %dma_start3A_133 = tpu.memref_slice %arg10[%mul3A_132] : memref<10240xi32, #tpu.memory_space<vmem>> -> memref<80xi32, #tpu.memory_space<vmem>>
        %dma_start3A_134 = arith.constant 0 : i32
        %dma_start3A_135 = arith.constant 0 : i32
        %dma_start3A_136 = tpu.memref_slice %arg2[%dma_start3A_134, %dma_start3A_135] : memref<10000x128xf32, #tpu.memory_space<hbm>> -> memref<10000x128xf32, #tpu.memory_space<hbm>>
        tpu.enqueue_indirect_dma source(%dma_start3A_136 : memref<10000x128xf32, #tpu.memory_space<hbm>>) target(%arg11 : memref<80x128xf32, #tpu.memory_space<vmem>>) offsets(%dma_start3A_133 : memref<80xi32, #tpu.memory_space<vmem>>) semaphore(%arg16 : memref<!tpu.dma_semaphore, #tpu.memory_space<semaphore_mem>>)
        %add3A_137 = arith.constant 2 : i32
        %add3A_138 = arith.addi %add3A_80, %add3A_137 : i32
        %mul3A_139 = arith.constant 80 : i32
        %mul3A_140 = arith.muli %add3A_138, %mul3A_139 : i32
        %add3A_141 = arith.addi %select_n3A_11, %mul3A_140 : i32
        %dma_start3A_142 = tpu.memref_slice %arg4[%add3A_141] : memref<320000xi32, #tpu.memory_space<hbm>> -> memref<80xi32, #tpu.memory_space<hbm>>
        %dma_start3A_143 = tpu.memref_slice %arg4[%add3A_141] : memref<320000xi32, #tpu.memory_space<hbm>> -> memref<80xi32, #tpu.memory_space<hbm>>
        tpu.enqueue_dma source(%dma_start3A_143 : memref<80xi32, #tpu.memory_space<hbm>>) target(%arg13 : memref<80xi32, #tpu.memory_space<vmem>>) target_semaphore(%arg18 : memref<!tpu.dma_semaphore, #tpu.memory_space<semaphore_mem>>)
      } else {
      }
      %mul3A_102 = arith.constant 2 : i32
      %mul3A_103 = arith.muli %while3A_76, %mul3A_102 : i32
      %add3A_104 = arith.constant 1 : i32
      %add3A_105 = arith.addi %mul3A_103, %add3A_104 : i32
      %mul3A_106 = arith.constant 80 : i32
      %mul3A_107 = arith.muli %add3A_105, %mul3A_106 : i32
      %dma_wait3A_108 = tpu.memref_slice %arg10[%mul3A_107] : memref<10240xi32, #tpu.memory_space<vmem>> -> memref<80xi32, #tpu.memory_space<vmem>>
      %dma_wait3A_109 = arith.constant 0 : i32
      %dma_wait3A_110 = arith.constant 0 : i32
      %dma_wait3A_111 = tpu.memref_slice %arg2[%dma_wait3A_109, %dma_wait3A_110] : memref<10000x128xf32, #tpu.memory_space<hbm>> -> memref<10000x128xf32, #tpu.memory_space<hbm>>
      tpu.wait_indirect_dma semaphore(%arg17 : memref<!tpu.dma_semaphore, #tpu.memory_space<semaphore_mem>>) src(%dma_wait3A_111 : memref<10000x128xf32, #tpu.memory_space<hbm>>) dst(%arg12 : memref<80x128xf32, #tpu.memory_space<vmem>>)
      %mul3A_112 = arith.constant 80 : i32
      %mul3A_113 = arith.muli %add3A_105, %mul3A_112 : i32
      %add3A_114 = arith.addi %select_n3A_11, %mul3A_113 : i32
      %dma_wait3A_115 = tpu.memref_slice %arg4[%add3A_114] : memref<320000xi32, #tpu.memory_space<hbm>> -> memref<80xi32, #tpu.memory_space<hbm>>
      %dma_wait3A_116 = tpu.memref_slice %arg4[%add3A_114] : memref<320000xi32, #tpu.memory_space<hbm>> -> memref<80xi32, #tpu.memory_space<hbm>>
      tpu.wait_dma2 semaphore(%arg19 : memref<!tpu.dma_semaphore, #tpu.memory_space<semaphore_mem>>) src(%dma_wait3A_116 : memref<80xi32, #tpu.memory_space<hbm>>) dst(%arg14 : memref<80xi32, #tpu.memory_space<vmem>>)
      %dma_start3A_117 = arith.constant 0 : i32
      %dma_start3A_118 = arith.constant 0 : i32
      %dma_start3A_119 = tpu.memref_slice %arg9[%dma_start3A_117, %dma_start3A_118] : memref<10112x128xf32, #tpu.memory_space<vmem_shared>> -> memref<10112x128xf32, #tpu.memory_space<vmem_shared>>
      tpu.enqueue_indirect_dma source(%arg12 : memref<80x128xf32, #tpu.memory_space<vmem>>) target(%dma_start3A_119 : memref<10112x128xf32, #tpu.memory_space<vmem_shared>>) offsets(%arg14 : memref<80xi32, #tpu.memory_space<vmem>>) semaphore(%arg20 : memref<!tpu.dma_semaphore, #tpu.memory_space<semaphore_mem>>) {add = true}
      %dma_wait3A_120 = arith.constant 0 : i32
      %dma_wait3A_121 = arith.constant 0 : i32
      %dma_wait3A_122 = tpu.memref_slice %arg9[%dma_wait3A_120, %dma_wait3A_121] : memref<10112x128xf32, #tpu.memory_space<vmem_shared>> -> memref<10112x128xf32, #tpu.memory_space<vmem_shared>>
      tpu.wait_indirect_dma semaphore(%arg20 : memref<!tpu.dma_semaphore, #tpu.memory_space<semaphore_mem>>) src(%arg12 : memref<80x128xf32, #tpu.memory_space<vmem>>) dst(%dma_wait3A_122 : memref<10112x128xf32, #tpu.memory_space<vmem_shared>>)
      %add3A_123 = arith.constant 2 : i32
      %add3A_124 = arith.addi %add3A_105, %add3A_123 : i32
      %lt3A_125 = arith.cmpi slt, %add3A_124, %select_n3A : i32
      %convert_element_type3A_126 = arith.extui %lt3A_125 : i1 to i32
      %cond3A_127 = arith.constant 0 : i32
      %cond3A_128 = arith.cmpi ne, %convert_element_type3A_126, %cond3A_127 : i32
      scf.if %cond3A_128 {
        %add3A_129 = arith.constant 2 : i32
        %add3A_130 = arith.addi %add3A_105, %add3A_129 : i32
        %mul3A_131 = arith.constant 80 : i32
        %mul3A_132 = arith.muli %add3A_130, %mul3A_131 : i32
        %dma_start3A_133 = tpu.memref_slice %arg10[%mul3A_132] : memref<10240xi32, #tpu.memory_space<vmem>> -> memref<80xi32, #tpu.memory_space<vmem>>
        %dma_start3A_134 = arith.constant 0 : i32
        %dma_start3A_135 = arith.constant 0 : i32
        %dma_start3A_136 = tpu.memref_slice %arg2[%dma_start3A_134, %dma_start3A_135] : memref<10000x128xf32, #tpu.memory_space<hbm>> -> memref<10000x128xf32, #tpu.memory_space<hbm>>
        tpu.enqueue_indirect_dma source(%dma_start3A_136 : memref<10000x128xf32, #tpu.memory_space<hbm>>) target(%arg12 : memref<80x128xf32, #tpu.memory_space<vmem>>) offsets(%dma_start3A_133 : memref<80xi32, #tpu.memory_space<vmem>>) semaphore(%arg17 : memref<!tpu.dma_semaphore, #tpu.memory_space<semaphore_mem>>)
        %add3A_137 = arith.constant 2 : i32
        %add3A_138 = arith.addi %add3A_105, %add3A_137 : i32
        %mul3A_139 = arith.constant 80 : i32
        %mul3A_140 = arith.muli %add3A_138, %mul3A_139 : i32
        %add3A_141 = arith.addi %select_n3A_11, %mul3A_140 : i32
        %dma_start3A_142 = tpu.memref_slice %arg4[%add3A_141] : memref<320000xi32, #tpu.memory_space<hbm>> -> memref<80xi32, #tpu.memory_space<hbm>>
        %dma_start3A_143 = tpu.memref_slice %arg4[%add3A_141] : memref<320000xi32, #tpu.memory_space<hbm>> -> memref<80xi32, #tpu.memory_space<hbm>>
        tpu.enqueue_dma source(%dma_start3A_143 : memref<80xi32, #tpu.memory_space<hbm>>) target(%arg14 : memref<80xi32, #tpu.memory_space<vmem>>) target_semaphore(%arg19 : memref<!tpu.dma_semaphore, #tpu.memory_space<semaphore_mem>>)
      } else {
      }
    }
    %barrier3A_68 = arith.constant 0 : index
    tpu.barrier barrier_id(%barrier3A_68)
    %mul3A_69 = arith.constant 10112 : i32
    %mul3A_70 = arith.muli %arg0, %mul3A_69 : i32
    %mul3A_71 = arith.constant 632 : i32
    %mul3A_72 = arith.muli %arg1, %mul3A_71 : i32
    %add3A_73 = arith.addi %mul3A_70, %mul3A_72 : i32
    %mul3A_74 = arith.constant 632 : i32
    %mul3A_75 = arith.muli %arg1, %mul3A_74 : i32
    "tpu.region"() ({
      %run_scoped3A = tpu.sem_alloc : memref<!tpu.dma_semaphore, #tpu.memory_space<semaphore_mem>>
      %dma_start3A_76 = arith.constant 0 : i32
      %dma_start3A_77 = tpu.memref_slice %arg7[%add3A_73, %dma_start3A_76] : memref<20224x128xf32, #tpu.memory_space<hbm>> -> memref<632x128xf32, #tpu.memory_space<hbm>>
      %dma_start3A_78 = arith.constant 0 : i32
      %dma_start3A_79 = tpu.memref_slice %arg9[%mul3A_75, %dma_start3A_78] : memref<10112x128xf32, #tpu.memory_space<vmem_shared>> -> memref<632x128xf32, #tpu.memory_space<vmem_shared>>
      tpu.enqueue_dma source(%dma_start3A_79 : memref<632x128xf32, #tpu.memory_space<vmem_shared>>) target(%dma_start3A_77 : memref<632x128xf32, #tpu.memory_space<hbm>>) target_semaphore(%run_scoped3A : memref<!tpu.dma_semaphore, #tpu.memory_space<semaphore_mem>>)
      %dma_wait3A = arith.constant 0 : i32
      %dma_wait3A_80 = tpu.memref_slice %arg7[%add3A_73, %dma_wait3A] : memref<20224x128xf32, #tpu.memory_space<hbm>> -> memref<632x128xf32, #tpu.memory_space<hbm>>
      %dma_wait3A_81 = arith.constant 0 : i32
      %dma_wait3A_82 = tpu.memref_slice %arg9[%mul3A_75, %dma_wait3A_81] : memref<10112x128xf32, #tpu.memory_space<vmem_shared>> -> memref<632x128xf32, #tpu.memory_space<vmem_shared>>
      tpu.wait_dma2 semaphore(%run_scoped3A : memref<!tpu.dma_semaphore, #tpu.memory_space<semaphore_mem>>) src(%dma_wait3A_82 : memref<632x128xf32, #tpu.memory_space<vmem_shared>>) dst(%dma_wait3A_80 : memref<632x128xf32, #tpu.memory_space<hbm>>)
      tpu.yield
    }) : () -> ()
    return
  }
}

#map = affine_map<(d0, d1) -> (0, 0)>
#map1 = affine_map<(d0, d1) -> (0)>
module attributes {stable_mosaic.version = 14 : i64} {
  func.func @_sc_body(%arg0: i32, %arg1: i32, %arg2: memref<10000x128xf32, #tpu.memory_space<hbm>>, %arg3: memref<320000xi32, #tpu.memory_space<hbm>>, %arg4: memref<320000xi32, #tpu.memory_space<hbm>>, %arg5: memref<10112x128xf32, #tpu.memory_space<hbm>>, %arg6: memref<10112xf32, #tpu.memory_space<hbm>>, %arg7: memref<20224x128xf32, #tpu.memory_space<hbm>>, %arg8: memref<323584xf32, #tpu.memory_space<hbm>>, %arg9: memref<10112x128xf32, #tpu.memory_space<vmem_shared>>, %arg10: memref<10240xi32, #tpu.memory_space<vmem>>, %arg11: memref<80x128xf32, #tpu.memory_space<vmem>>, %arg12: memref<80x128xf32, #tpu.memory_space<vmem>>, %arg13: memref<80xi32, #tpu.memory_space<vmem>>, %arg14: memref<80xi32, #tpu.memory_space<vmem>>, %arg15: memref<10112xf32, #tpu.memory_space<vmem>>, %arg16: memref<!tpu.dma_semaphore, #tpu.memory_space<semaphore_mem>>, %arg17: memref<!tpu.dma_semaphore, #tpu.memory_space<semaphore_mem>>, %arg18: memref<!tpu.dma_semaphore, #tpu.memory_space<semaphore_mem>>, %arg19: memref<!tpu.dma_semaphore, #tpu.memory_space<semaphore_mem>>, %arg20: memref<!tpu.dma_semaphore, #tpu.memory_space<semaphore_mem>>) attributes {dimension_semantics = [#tpu.dimension_semantics<core_parallel>, #tpu.dimension_semantics<subcore_parallel>], iteration_bounds = array<i64: 2, 16>, scalar_prefetch = 0 : i64, scratch_operands = 12 : i64, tpu.core_type = #tpu.core_type<sc_vector_subcore>, window_params = [{transform_indices = #map}, {transform_indices = #map1}, {transform_indices = #map1}, {transform_indices = #map}, {transform_indices = #map1}, {transform_indices = #map}, {transform_indices = #map1}]} {
    %mul3A = arith.constant 16 : i32
    %mul3A_0 = arith.muli %arg0, %mul3A : i32
    %add3A = arith.addi %mul3A_0, %arg1 : i32
    %eq3A = arith.constant 0 : i32
    %eq3A_1 = arith.cmpi eq, %arg0, %eq3A : i32
    %jit3A = arith.constant 128 : i32
    %jit3A_2 = arith.constant 122 : i32
    %select_n3A = arith.select %eq3A_1, %jit3A, %jit3A_2 : i32
    %eq3A_3 = arith.constant 0 : i32
    %eq3A_4 = arith.cmpi eq, %arg0, %eq3A_3 : i32
    %mul3A_5 = arith.constant 10240 : i32
    %mul3A_6 = arith.muli %arg1, %mul3A_5 : i32
    %mul3A_7 = arith.constant 9760 : i32
    %mul3A_8 = arith.muli %arg1, %mul3A_7 : i32
    %add3A_9 = arith.constant 163840 : i32
    %add3A_10 = arith.addi %add3A_9, %mul3A_8 : i32
    %select_n3A_11 = arith.select %eq3A_4, %mul3A_6, %add3A_10 : i32
    %eq3A_12 = arith.constant 0 : i32
    %eq3A_13 = arith.cmpi eq, %arg0, %eq3A_12 : i32
    %convert_element_type3A = arith.extui %eq3A_13 : i1 to i32
    %cond3A = arith.constant 0 : i32
    %cond3A_14 = arith.cmpi ne, %convert_element_type3A, %cond3A : i32
    scf.if %cond3A_14 {
      "tpu.region"() ({
        %run_scoped3A = tpu.sem_alloc : memref<!tpu.dma_semaphore, #tpu.memory_space<semaphore_mem>>
        %dma_start3A_78 = tpu.memref_slice %arg3[%select_n3A_11] : memref<320000xi32, #tpu.memory_space<hbm>> -> memref<10240xi32, #tpu.memory_space<hbm>>
        %dma_start3A_79 = tpu.memref_slice %arg3[%select_n3A_11] : memref<320000xi32, #tpu.memory_space<hbm>> -> memref<10240xi32, #tpu.memory_space<hbm>>
        tpu.enqueue_dma source(%dma_start3A_79 : memref<10240xi32, #tpu.memory_space<hbm>>) target(%arg10 : memref<10240xi32, #tpu.memory_space<vmem>>) target_semaphore(%run_scoped3A : memref<!tpu.dma_semaphore, #tpu.memory_space<semaphore_mem>>)
        %dma_wait3A = tpu.memref_slice %arg3[%select_n3A_11] : memref<320000xi32, #tpu.memory_space<hbm>> -> memref<10240xi32, #tpu.memory_space<hbm>>
        %dma_wait3A_80 = tpu.memref_slice %arg3[%select_n3A_11] : memref<320000xi32, #tpu.memory_space<hbm>> -> memref<10240xi32, #tpu.memory_space<hbm>>
        tpu.wait_dma2 semaphore(%run_scoped3A : memref<!tpu.dma_semaphore, #tpu.memory_space<semaphore_mem>>) src(%dma_wait3A_80 : memref<10240xi32, #tpu.memory_space<hbm>>) dst(%arg10 : memref<10240xi32, #tpu.memory_space<vmem>>)
        tpu.yield
      }) : () -> ()
    } else {
    }
    %eq3A_15 = arith.constant 1 : i32
    %eq3A_16 = arith.cmpi eq, %arg0, %eq3A_15 : i32
    %convert_element_type3A_17 = arith.extui %eq3A_16 : i1 to i32
    %cond3A_18 = arith.constant 0 : i32
    %cond3A_19 = arith.cmpi ne, %convert_element_type3A_17, %cond3A_18 : i32
    scf.if %cond3A_19 {
      "tpu.region"() ({
        %run_scoped3A = tpu.sem_alloc : memref<!tpu.dma_semaphore, #tpu.memory_space<semaphore_mem>>
        %dma_start3A_78 = arith.constant 0 : i32
        %dma_start3A_79 = tpu.memref_slice %arg10[%dma_start3A_78] : memref<10240xi32, #tpu.memory_space<vmem>> -> memref<9760xi32, #tpu.memory_space<vmem>>
        %dma_start3A_80 = tpu.memref_slice %arg3[%select_n3A_11] : memref<320000xi32, #tpu.memory_space<hbm>> -> memref<9760xi32, #tpu.memory_space<hbm>>
        %dma_start3A_81 = arith.constant 0 : i32
        %dma_start3A_82 = tpu.memref_slice %arg10[%dma_start3A_81] : memref<10240xi32, #tpu.memory_space<vmem>> -> memref<9760xi32, #tpu.memory_space<vmem>>
        %dma_start3A_83 = tpu.memref_slice %arg3[%select_n3A_11] : memref<320000xi32, #tpu.memory_space<hbm>> -> memref<9760xi32, #tpu.memory_space<hbm>>
        tpu.enqueue_dma source(%dma_start3A_83 : memref<9760xi32, #tpu.memory_space<hbm>>) target(%dma_start3A_82 : memref<9760xi32, #tpu.memory_space<vmem>>) target_semaphore(%run_scoped3A : memref<!tpu.dma_semaphore, #tpu.memory_space<semaphore_mem>>)
        %dma_wait3A = arith.constant 0 : i32
        %dma_wait3A_84 = tpu.memref_slice %arg10[%dma_wait3A] : memref<10240xi32, #tpu.memory_space<vmem>> -> memref<9760xi32, #tpu.memory_space<vmem>>
        %dma_wait3A_85 = tpu.memref_slice %arg3[%select_n3A_11] : memref<320000xi32, #tpu.memory_space<hbm>> -> memref<9760xi32, #tpu.memory_space<hbm>>
        %dma_wait3A_86 = arith.constant 0 : i32
        %dma_wait3A_87 = tpu.memref_slice %arg10[%dma_wait3A_86] : memref<10240xi32, #tpu.memory_space<vmem>> -> memref<9760xi32, #tpu.memory_space<vmem>>
        %dma_wait3A_88 = tpu.memref_slice %arg3[%select_n3A_11] : memref<320000xi32, #tpu.memory_space<hbm>> -> memref<9760xi32, #tpu.memory_space<hbm>>
        tpu.wait_dma2 semaphore(%run_scoped3A : memref<!tpu.dma_semaphore, #tpu.memory_space<semaphore_mem>>) src(%dma_wait3A_88 : memref<9760xi32, #tpu.memory_space<hbm>>) dst(%dma_wait3A_87 : memref<9760xi32, #tpu.memory_space<vmem>>)
        tpu.yield
      }) : () -> ()
    } else {
    }
    %mul3A_20 = arith.constant 632 : i32
    %mul3A_21 = arith.muli %arg1, %mul3A_20 : i32
    %mul3A_22 = arith.constant 632 : i32
    %mul3A_23 = arith.muli %arg1, %mul3A_22 : i32
    "tpu.region"() ({
      %run_scoped3A = tpu.sem_alloc : memref<!tpu.dma_semaphore, #tpu.memory_space<semaphore_mem>>
      %dma_start3A_78 = arith.constant 0 : i32
      %dma_start3A_79 = tpu.memref_slice %arg9[%mul3A_23, %dma_start3A_78] : memref<10112x128xf32, #tpu.memory_space<vmem_shared>> -> memref<632x128xf32, #tpu.memory_space<vmem_shared>>
      %dma_start3A_80 = arith.constant 0 : i32
      %dma_start3A_81 = tpu.memref_slice %arg5[%mul3A_21, %dma_start3A_80] : memref<10112x128xf32, #tpu.memory_space<hbm>> -> memref<632x128xf32, #tpu.memory_space<hbm>>
      tpu.enqueue_dma source(%dma_start3A_81 : memref<632x128xf32, #tpu.memory_space<hbm>>) target(%dma_start3A_79 : memref<632x128xf32, #tpu.memory_space<vmem_shared>>) target_semaphore(%run_scoped3A : memref<!tpu.dma_semaphore, #tpu.memory_space<semaphore_mem>>)
      %dma_wait3A = arith.constant 0 : i32
      %dma_wait3A_82 = tpu.memref_slice %arg9[%mul3A_23, %dma_wait3A] : memref<10112x128xf32, #tpu.memory_space<vmem_shared>> -> memref<632x128xf32, #tpu.memory_space<vmem_shared>>
      %dma_wait3A_83 = arith.constant 0 : i32
      %dma_wait3A_84 = tpu.memref_slice %arg5[%mul3A_21, %dma_wait3A_83] : memref<10112x128xf32, #tpu.memory_space<hbm>> -> memref<632x128xf32, #tpu.memory_space<hbm>>
      tpu.wait_dma2 semaphore(%run_scoped3A : memref<!tpu.dma_semaphore, #tpu.memory_space<semaphore_mem>>) src(%dma_wait3A_84 : memref<632x128xf32, #tpu.memory_space<hbm>>) dst(%dma_wait3A_82 : memref<632x128xf32, #tpu.memory_space<vmem_shared>>)
      tpu.yield
    }) : () -> ()
    "tpu.region"() ({
      %run_scoped3A = tpu.sem_alloc : memref<!tpu.dma_semaphore, #tpu.memory_space<semaphore_mem>>
      tpu.enqueue_dma source(%arg6 : memref<10112xf32, #tpu.memory_space<hbm>>) target(%arg15 : memref<10112xf32, #tpu.memory_space<vmem>>) target_semaphore(%run_scoped3A : memref<!tpu.dma_semaphore, #tpu.memory_space<semaphore_mem>>)
      tpu.wait_dma2 semaphore(%run_scoped3A : memref<!tpu.dma_semaphore, #tpu.memory_space<semaphore_mem>>) src(%arg6 : memref<10112xf32, #tpu.memory_space<hbm>>) dst(%arg15 : memref<10112xf32, #tpu.memory_space<vmem>>)
      tpu.yield
    }) : () -> ()
    %barrier3A = arith.constant 0 : index
    tpu.barrier barrier_id(%barrier3A)
    %dma_start3A = arith.constant 0 : i32
    %dma_start3A_24 = tpu.memref_slice %arg10[%dma_start3A] : memref<10240xi32, #tpu.memory_space<vmem>> -> memref<80xi32, #tpu.memory_space<vmem>>
    %dma_start3A_25 = arith.constant 0 : i32
    %dma_start3A_26 = arith.constant 0 : i32
    %dma_start3A_27 = tpu.memref_slice %arg2[%dma_start3A_25, %dma_start3A_26] : memref<10000x128xf32, #tpu.memory_space<hbm>> -> memref<10000x128xf32, #tpu.memory_space<hbm>>
    tpu.enqueue_indirect_dma source(%dma_start3A_27 : memref<10000x128xf32, #tpu.memory_space<hbm>>) target(%arg11 : memref<80x128xf32, #tpu.memory_space<vmem>>) offsets(%dma_start3A_24 : memref<80xi32, #tpu.memory_space<vmem>>) semaphore(%arg16 : memref<!tpu.dma_semaphore, #tpu.memory_space<semaphore_mem>>)
    %add3A_28 = arith.constant 0 : i32
    %add3A_29 = arith.addi %select_n3A_11, %add3A_28 : i32
    %dma_start3A_30 = tpu.memref_slice %arg4[%add3A_29] : memref<320000xi32, #tpu.memory_space<hbm>> -> memref<80xi32, #tpu.memory_space<hbm>>
    %dma_start3A_31 = tpu.memref_slice %arg4[%add3A_29] : memref<320000xi32, #tpu.memory_space<hbm>> -> memref<80xi32, #tpu.memory_space<hbm>>
    tpu.enqueue_dma source(%dma_start3A_31 : memref<80xi32, #tpu.memory_space<hbm>>) target(%arg13 : memref<80xi32, #tpu.memory_space<vmem>>) target_semaphore(%arg18 : memref<!tpu.dma_semaphore, #tpu.memory_space<semaphore_mem>>)
    %dma_start3A_32 = arith.constant 80 : i32
    %dma_start3A_33 = tpu.memref_slice %arg10[%dma_start3A_32] : memref<10240xi32, #tpu.memory_space<vmem>> -> memref<80xi32, #tpu.memory_space<vmem>>
    %dma_start3A_34 = arith.constant 0 : i32
    %dma_start3A_35 = arith.constant 0 : i32
    %dma_start3A_36 = tpu.memref_slice %arg2[%dma_start3A_34, %dma_start3A_35] : memref<10000x128xf32, #tpu.memory_space<hbm>> -> memref<10000x128xf32, #tpu.memory_space<hbm>>
    tpu.enqueue_indirect_dma source(%dma_start3A_36 : memref<10000x128xf32, #tpu.memory_space<hbm>>) target(%arg12 : memref<80x128xf32, #tpu.memory_space<vmem>>) offsets(%dma_start3A_33 : memref<80xi32, #tpu.memory_space<vmem>>) semaphore(%arg17 : memref<!tpu.dma_semaphore, #tpu.memory_space<semaphore_mem>>)
    %add3A_37 = arith.constant 80 : i32
    %add3A_38 = arith.addi %select_n3A_11, %add3A_37 : i32
    %dma_start3A_39 = tpu.memref_slice %arg4[%add3A_38] : memref<320000xi32, #tpu.memory_space<hbm>> -> memref<80xi32, #tpu.memory_space<hbm>>
    %dma_start3A_40 = tpu.memref_slice %arg4[%add3A_38] : memref<320000xi32, #tpu.memory_space<hbm>> -> memref<80xi32, #tpu.memory_space<hbm>>
    tpu.enqueue_dma source(%dma_start3A_40 : memref<80xi32, #tpu.memory_space<hbm>>) target(%arg14 : memref<80xi32, #tpu.memory_space<vmem>>) target_semaphore(%arg19 : memref<!tpu.dma_semaphore, #tpu.memory_space<semaphore_mem>>)
    %jit3A_41 = arith.constant 2 : i32
    %div3A = arith.divsi %select_n3A, %jit3A_41 : i32
    %sign3A = arith.constant 0 : i32
    %sign3A_42 = arith.cmpi sgt, %select_n3A, %sign3A : i32
    %sign3A_43 = arith.extui %sign3A_42 : i1 to i32
    %sign3A_44 = arith.constant 0 : i32
    %sign3A_45 = arith.cmpi slt, %select_n3A, %sign3A_44 : i32
    %sign3A_46 = arith.extui %sign3A_45 : i1 to i32
    %sign3A_47 = arith.subi %sign3A_43, %sign3A_46 : i32
    %sign3A_48 = arith.constant 0 : i32
    %sign3A_49 = arith.cmpi sgt, %jit3A_41, %sign3A_48 : i32
    %sign3A_50 = arith.extui %sign3A_49 : i1 to i32
    %sign3A_51 = arith.constant 0 : i32
    %sign3A_52 = arith.cmpi slt, %jit3A_41, %sign3A_51 : i32
    %sign3A_53 = arith.extui %sign3A_52 : i1 to i32
    %sign3A_54 = arith.subi %sign3A_50, %sign3A_53 : i32
    %ne3A = arith.cmpi ne, %sign3A_47, %sign3A_54 : i32
    %rem3A = arith.remsi %select_n3A, %jit3A_41 : i32
    %ne3A_55 = arith.constant 0 : i32
    %ne3A_56 = arith.cmpi ne, %rem3A, %ne3A_55 : i32
    %and3A = arith.andi %ne3A, %ne3A_56 : i1
    %sub3A = arith.constant 1 : i32
    %sub3A_57 = arith.subi %div3A, %sub3A : i32
    %select_n3A_58 = arith.select %and3A, %sub3A_57, %div3A : i32
    %while3A = arith.constant 0 : i32
    %while3A_59 = arith.constant 0 : i32
    %while3A_60 = arith.subi %select_n3A_58, %while3A_59 : i32
    %while3A_61 = arith.addi %while3A_59, %while3A_60 : i32
    %while3A_62 = arith.constant 1 : i32
    %while3A_63 = arith.divsi %while3A_60, %while3A_62 : i32
    %while3A_64 = arith.muli %while3A_63, %while3A_62 : i32
    %while3A_65 = arith.addi %while3A_59, %while3A_64 : i32
    %while3A_66 = arith.constant 1 : i32
    scf.for %while3A_78 = %while3A_59 to %while3A_65 step %while3A_66  : i32 {
      %mul3A_79 = arith.constant 2 : i32
      %mul3A_80 = arith.muli %while3A_78, %mul3A_79 : i32
      %add3A_81 = arith.constant 0 : i32
      %add3A_82 = arith.addi %mul3A_80, %add3A_81 : i32
      %mul3A_83 = arith.constant 80 : i32
      %mul3A_84 = arith.muli %add3A_82, %mul3A_83 : i32
      %dma_wait3A = tpu.memref_slice %arg10[%mul3A_84] : memref<10240xi32, #tpu.memory_space<vmem>> -> memref<80xi32, #tpu.memory_space<vmem>>
      %dma_wait3A_85 = arith.constant 0 : i32
      %dma_wait3A_86 = arith.constant 0 : i32
      %dma_wait3A_87 = tpu.memref_slice %arg2[%dma_wait3A_85, %dma_wait3A_86] : memref<10000x128xf32, #tpu.memory_space<hbm>> -> memref<10000x128xf32, #tpu.memory_space<hbm>>
      tpu.wait_indirect_dma semaphore(%arg16 : memref<!tpu.dma_semaphore, #tpu.memory_space<semaphore_mem>>) src(%dma_wait3A_87 : memref<10000x128xf32, #tpu.memory_space<hbm>>) dst(%arg11 : memref<80x128xf32, #tpu.memory_space<vmem>>)
      %mul3A_88 = arith.constant 80 : i32
      %mul3A_89 = arith.muli %add3A_82, %mul3A_88 : i32
      %add3A_90 = arith.addi %select_n3A_11, %mul3A_89 : i32
      %dma_wait3A_91 = tpu.memref_slice %arg4[%add3A_90] : memref<320000xi32, #tpu.memory_space<hbm>> -> memref<80xi32, #tpu.memory_space<hbm>>
      %dma_wait3A_92 = tpu.memref_slice %arg4[%add3A_90] : memref<320000xi32, #tpu.memory_space<hbm>> -> memref<80xi32, #tpu.memory_space<hbm>>
      tpu.wait_dma2 semaphore(%arg18 : memref<!tpu.dma_semaphore, #tpu.memory_space<semaphore_mem>>) src(%dma_wait3A_92 : memref<80xi32, #tpu.memory_space<hbm>>) dst(%arg13 : memref<80xi32, #tpu.memory_space<vmem>>)
      %dma_start3A_93 = arith.constant 0 : i32
      %dma_start3A_94 = arith.constant 0 : i32
      %dma_start3A_95 = tpu.memref_slice %arg9[%dma_start3A_93, %dma_start3A_94] : memref<10112x128xf32, #tpu.memory_space<vmem_shared>> -> memref<10112x128xf32, #tpu.memory_space<vmem_shared>>
      tpu.enqueue_indirect_dma source(%arg11 : memref<80x128xf32, #tpu.memory_space<vmem>>) target(%dma_start3A_95 : memref<10112x128xf32, #tpu.memory_space<vmem_shared>>) offsets(%arg13 : memref<80xi32, #tpu.memory_space<vmem>>) semaphore(%arg20 : memref<!tpu.dma_semaphore, #tpu.memory_space<semaphore_mem>>) {add = true}
      %get3A = arith.constant 0 : index
      %get3A_96 = tpu.vector_load %arg13[%get3A] {strides = array<i32>} : memref<80xi32, #tpu.memory_space<vmem>>, vector<16xi32>,
      %broadcast_in_dim3A = arith.constant true
      %broadcast_in_dim3A_97 = vector.broadcast %broadcast_in_dim3A : i1 to vector<16xi1>
      %unique3A, %unique3A_98 = tpu.scan_count mask(%broadcast_in_dim3A_97 : vector<16xi1>) value(%get3A_96 : vector<16xi32>) : vector<16xi1>, vector<16xi32>
      %gather3A = tpu.vector_load_idx %arg15[%get3A_96] : memref<10112xf32, #tpu.memory_space<vmem>>[vector<16xi32>], vector<16xf32>,
      %convert_element_type3A_99 = arith.sitofp %unique3A_98 : vector<16xi32> to vector<16xf32>
      %add3A_100 = arith.addf %gather3A, %convert_element_type3A_99 : vector<16xf32>
      tpu.vector_store_idx %arg15[%get3A_96], %add3A_100 masked %unique3A : memref<10112xf32, #tpu.memory_space<vmem>>[vector<16xi32>], vector<16xf32>, vector<16xi1>
      %get3A_101 = arith.constant 16 : index
      %get3A_102 = tpu.vector_load %arg13[%get3A_101] {strides = array<i32>} : memref<80xi32, #tpu.memory_space<vmem>>, vector<16xi32>,
      %broadcast_in_dim3A_103 = arith.constant true
      %broadcast_in_dim3A_104 = vector.broadcast %broadcast_in_dim3A_103 : i1 to vector<16xi1>
      %unique3A_105, %unique3A_106 = tpu.scan_count mask(%broadcast_in_dim3A_104 : vector<16xi1>) value(%get3A_102 : vector<16xi32>) : vector<16xi1>, vector<16xi32>
      %gather3A_107 = tpu.vector_load_idx %arg15[%get3A_102] : memref<10112xf32, #tpu.memory_space<vmem>>[vector<16xi32>], vector<16xf32>,
      %convert_element_type3A_108 = arith.sitofp %unique3A_106 : vector<16xi32> to vector<16xf32>
      %add3A_109 = arith.addf %gather3A_107, %convert_element_type3A_108 : vector<16xf32>
      tpu.vector_store_idx %arg15[%get3A_102], %add3A_109 masked %unique3A_105 : memref<10112xf32, #tpu.memory_space<vmem>>[vector<16xi32>], vector<16xf32>, vector<16xi1>
      %get3A_110 = arith.constant 32 : index
      %get3A_111 = tpu.vector_load %arg13[%get3A_110] {strides = array<i32>} : memref<80xi32, #tpu.memory_space<vmem>>, vector<16xi32>,
      %broadcast_in_dim3A_112 = arith.constant true
      %broadcast_in_dim3A_113 = vector.broadcast %broadcast_in_dim3A_112 : i1 to vector<16xi1>
      %unique3A_114, %unique3A_115 = tpu.scan_count mask(%broadcast_in_dim3A_113 : vector<16xi1>) value(%get3A_111 : vector<16xi32>) : vector<16xi1>, vector<16xi32>
      %gather3A_116 = tpu.vector_load_idx %arg15[%get3A_111] : memref<10112xf32, #tpu.memory_space<vmem>>[vector<16xi32>], vector<16xf32>,
      %convert_element_type3A_117 = arith.sitofp %unique3A_115 : vector<16xi32> to vector<16xf32>
      %add3A_118 = arith.addf %gather3A_116, %convert_element_type3A_117 : vector<16xf32>
      tpu.vector_store_idx %arg15[%get3A_111], %add3A_118 masked %unique3A_114 : memref<10112xf32, #tpu.memory_space<vmem>>[vector<16xi32>], vector<16xf32>, vector<16xi1>
      %get3A_119 = arith.constant 48 : index
      %get3A_120 = tpu.vector_load %arg13[%get3A_119] {strides = array<i32>} : memref<80xi32, #tpu.memory_space<vmem>>, vector<16xi32>,
      %broadcast_in_dim3A_121 = arith.constant true
      %broadcast_in_dim3A_122 = vector.broadcast %broadcast_in_dim3A_121 : i1 to vector<16xi1>
      %unique3A_123, %unique3A_124 = tpu.scan_count mask(%broadcast_in_dim3A_122 : vector<16xi1>) value(%get3A_120 : vector<16xi32>) : vector<16xi1>, vector<16xi32>
      %gather3A_125 = tpu.vector_load_idx %arg15[%get3A_120] : memref<10112xf32, #tpu.memory_space<vmem>>[vector<16xi32>], vector<16xf32>,
      %convert_element_type3A_126 = arith.sitofp %unique3A_124 : vector<16xi32> to vector<16xf32>
      %add3A_127 = arith.addf %gather3A_125, %convert_element_type3A_126 : vector<16xf32>
      tpu.vector_store_idx %arg15[%get3A_120], %add3A_127 masked %unique3A_123 : memref<10112xf32, #tpu.memory_space<vmem>>[vector<16xi32>], vector<16xf32>, vector<16xi1>
      %get3A_128 = arith.constant 64 : index
      %get3A_129 = tpu.vector_load %arg13[%get3A_128] {strides = array<i32>} : memref<80xi32, #tpu.memory_space<vmem>>, vector<16xi32>,
      %broadcast_in_dim3A_130 = arith.constant true
      %broadcast_in_dim3A_131 = vector.broadcast %broadcast_in_dim3A_130 : i1 to vector<16xi1>
      %unique3A_132, %unique3A_133 = tpu.scan_count mask(%broadcast_in_dim3A_131 : vector<16xi1>) value(%get3A_129 : vector<16xi32>) : vector<16xi1>, vector<16xi32>
      %gather3A_134 = tpu.vector_load_idx %arg15[%get3A_129] : memref<10112xf32, #tpu.memory_space<vmem>>[vector<16xi32>], vector<16xf32>,
      %convert_element_type3A_135 = arith.sitofp %unique3A_133 : vector<16xi32> to vector<16xf32>
      %add3A_136 = arith.addf %gather3A_134, %convert_element_type3A_135 : vector<16xf32>
      tpu.vector_store_idx %arg15[%get3A_129], %add3A_136 masked %unique3A_132 : memref<10112xf32, #tpu.memory_space<vmem>>[vector<16xi32>], vector<16xf32>, vector<16xi1>
      %dma_wait3A_137 = arith.constant 0 : i32
      %dma_wait3A_138 = arith.constant 0 : i32
      %dma_wait3A_139 = tpu.memref_slice %arg9[%dma_wait3A_137, %dma_wait3A_138] : memref<10112x128xf32, #tpu.memory_space<vmem_shared>> -> memref<10112x128xf32, #tpu.memory_space<vmem_shared>>
      tpu.wait_indirect_dma semaphore(%arg20 : memref<!tpu.dma_semaphore, #tpu.memory_space<semaphore_mem>>) src(%arg11 : memref<80x128xf32, #tpu.memory_space<vmem>>) dst(%dma_wait3A_139 : memref<10112x128xf32, #tpu.memory_space<vmem_shared>>)
      %add3A_140 = arith.constant 2 : i32
      %add3A_141 = arith.addi %add3A_82, %add3A_140 : i32
      %lt3A = arith.cmpi slt, %add3A_141, %select_n3A : i32
      %convert_element_type3A_142 = arith.extui %lt3A : i1 to i32
      %cond3A_143 = arith.constant 0 : i32
      %cond3A_144 = arith.cmpi ne, %convert_element_type3A_142, %cond3A_143 : i32
      scf.if %cond3A_144 {
        %add3A_217 = arith.constant 2 : i32
        %add3A_218 = arith.addi %add3A_82, %add3A_217 : i32
        %mul3A_219 = arith.constant 80 : i32
        %mul3A_220 = arith.muli %add3A_218, %mul3A_219 : i32
        %dma_start3A_221 = tpu.memref_slice %arg10[%mul3A_220] : memref<10240xi32, #tpu.memory_space<vmem>> -> memref<80xi32, #tpu.memory_space<vmem>>
        %dma_start3A_222 = arith.constant 0 : i32
        %dma_start3A_223 = arith.constant 0 : i32
        %dma_start3A_224 = tpu.memref_slice %arg2[%dma_start3A_222, %dma_start3A_223] : memref<10000x128xf32, #tpu.memory_space<hbm>> -> memref<10000x128xf32, #tpu.memory_space<hbm>>
        tpu.enqueue_indirect_dma source(%dma_start3A_224 : memref<10000x128xf32, #tpu.memory_space<hbm>>) target(%arg11 : memref<80x128xf32, #tpu.memory_space<vmem>>) offsets(%dma_start3A_221 : memref<80xi32, #tpu.memory_space<vmem>>) semaphore(%arg16 : memref<!tpu.dma_semaphore, #tpu.memory_space<semaphore_mem>>)
        %add3A_225 = arith.constant 2 : i32
        %add3A_226 = arith.addi %add3A_82, %add3A_225 : i32
        %mul3A_227 = arith.constant 80 : i32
        %mul3A_228 = arith.muli %add3A_226, %mul3A_227 : i32
        %add3A_229 = arith.addi %select_n3A_11, %mul3A_228 : i32
        %dma_start3A_230 = tpu.memref_slice %arg4[%add3A_229] : memref<320000xi32, #tpu.memory_space<hbm>> -> memref<80xi32, #tpu.memory_space<hbm>>
        %dma_start3A_231 = tpu.memref_slice %arg4[%add3A_229] : memref<320000xi32, #tpu.memory_space<hbm>> -> memref<80xi32, #tpu.memory_space<hbm>>
        tpu.enqueue_dma source(%dma_start3A_231 : memref<80xi32, #tpu.memory_space<hbm>>) target(%arg13 : memref<80xi32, #tpu.memory_space<vmem>>) target_semaphore(%arg18 : memref<!tpu.dma_semaphore, #tpu.memory_space<semaphore_mem>>)
      } else {
      }
      %mul3A_145 = arith.constant 2 : i32
      %mul3A_146 = arith.muli %while3A_78, %mul3A_145 : i32
      %add3A_147 = arith.constant 1 : i32
      %add3A_148 = arith.addi %mul3A_146, %add3A_147 : i32
      %mul3A_149 = arith.constant 80 : i32
      %mul3A_150 = arith.muli %add3A_148, %mul3A_149 : i32
      %dma_wait3A_151 = tpu.memref_slice %arg10[%mul3A_150] : memref<10240xi32, #tpu.memory_space<vmem>> -> memref<80xi32, #tpu.memory_space<vmem>>
      %dma_wait3A_152 = arith.constant 0 : i32
      %dma_wait3A_153 = arith.constant 0 : i32
      %dma_wait3A_154 = tpu.memref_slice %arg2[%dma_wait3A_152, %dma_wait3A_153] : memref<10000x128xf32, #tpu.memory_space<hbm>> -> memref<10000x128xf32, #tpu.memory_space<hbm>>
      tpu.wait_indirect_dma semaphore(%arg17 : memref<!tpu.dma_semaphore, #tpu.memory_space<semaphore_mem>>) src(%dma_wait3A_154 : memref<10000x128xf32, #tpu.memory_space<hbm>>) dst(%arg12 : memref<80x128xf32, #tpu.memory_space<vmem>>)
      %mul3A_155 = arith.constant 80 : i32
      %mul3A_156 = arith.muli %add3A_148, %mul3A_155 : i32
      %add3A_157 = arith.addi %select_n3A_11, %mul3A_156 : i32
      %dma_wait3A_158 = tpu.memref_slice %arg4[%add3A_157] : memref<320000xi32, #tpu.memory_space<hbm>> -> memref<80xi32, #tpu.memory_space<hbm>>
      %dma_wait3A_159 = tpu.memref_slice %arg4[%add3A_157] : memref<320000xi32, #tpu.memory_space<hbm>> -> memref<80xi32, #tpu.memory_space<hbm>>
      tpu.wait_dma2 semaphore(%arg19 : memref<!tpu.dma_semaphore, #tpu.memory_space<semaphore_mem>>) src(%dma_wait3A_159 : memref<80xi32, #tpu.memory_space<hbm>>) dst(%arg14 : memref<80xi32, #tpu.memory_space<vmem>>)
      %dma_start3A_160 = arith.constant 0 : i32
      %dma_start3A_161 = arith.constant 0 : i32
      %dma_start3A_162 = tpu.memref_slice %arg9[%dma_start3A_160, %dma_start3A_161] : memref<10112x128xf32, #tpu.memory_space<vmem_shared>> -> memref<10112x128xf32, #tpu.memory_space<vmem_shared>>
      tpu.enqueue_indirect_dma source(%arg12 : memref<80x128xf32, #tpu.memory_space<vmem>>) target(%dma_start3A_162 : memref<10112x128xf32, #tpu.memory_space<vmem_shared>>) offsets(%arg14 : memref<80xi32, #tpu.memory_space<vmem>>) semaphore(%arg20 : memref<!tpu.dma_semaphore, #tpu.memory_space<semaphore_mem>>) {add = true}
      %get3A_163 = arith.constant 0 : index
      %get3A_164 = tpu.vector_load %arg14[%get3A_163] {strides = array<i32>} : memref<80xi32, #tpu.memory_space<vmem>>, vector<16xi32>,
      %broadcast_in_dim3A_165 = arith.constant true
      %broadcast_in_dim3A_166 = vector.broadcast %broadcast_in_dim3A_165 : i1 to vector<16xi1>
      %unique3A_167, %unique3A_168 = tpu.scan_count mask(%broadcast_in_dim3A_166 : vector<16xi1>) value(%get3A_164 : vector<16xi32>) : vector<16xi1>, vector<16xi32>
      %gather3A_169 = tpu.vector_load_idx %arg15[%get3A_164] : memref<10112xf32, #tpu.memory_space<vmem>>[vector<16xi32>], vector<16xf32>,
      %convert_element_type3A_170 = arith.sitofp %unique3A_168 : vector<16xi32> to vector<16xf32>
      %add3A_171 = arith.addf %gather3A_169, %convert_element_type3A_170 : vector<16xf32>
      tpu.vector_store_idx %arg15[%get3A_164], %add3A_171 masked %unique3A_167 : memref<10112xf32, #tpu.memory_space<vmem>>[vector<16xi32>], vector<16xf32>, vector<16xi1>
      %get3A_172 = arith.constant 16 : index
      %get3A_173 = tpu.vector_load %arg14[%get3A_172] {strides = array<i32>} : memref<80xi32, #tpu.memory_space<vmem>>, vector<16xi32>,
      %broadcast_in_dim3A_174 = arith.constant true
      %broadcast_in_dim3A_175 = vector.broadcast %broadcast_in_dim3A_174 : i1 to vector<16xi1>
      %unique3A_176, %unique3A_177 = tpu.scan_count mask(%broadcast_in_dim3A_175 : vector<16xi1>) value(%get3A_173 : vector<16xi32>) : vector<16xi1>, vector<16xi32>
      %gather3A_178 = tpu.vector_load_idx %arg15[%get3A_173] : memref<10112xf32, #tpu.memory_space<vmem>>[vector<16xi32>], vector<16xf32>,
      %convert_element_type3A_179 = arith.sitofp %unique3A_177 : vector<16xi32> to vector<16xf32>
      %add3A_180 = arith.addf %gather3A_178, %convert_element_type3A_179 : vector<16xf32>
      tpu.vector_store_idx %arg15[%get3A_173], %add3A_180 masked %unique3A_176 : memref<10112xf32, #tpu.memory_space<vmem>>[vector<16xi32>], vector<16xf32>, vector<16xi1>
      %get3A_181 = arith.constant 32 : index
      %get3A_182 = tpu.vector_load %arg14[%get3A_181] {strides = array<i32>} : memref<80xi32, #tpu.memory_space<vmem>>, vector<16xi32>,
      %broadcast_in_dim3A_183 = arith.constant true
      %broadcast_in_dim3A_184 = vector.broadcast %broadcast_in_dim3A_183 : i1 to vector<16xi1>
      %unique3A_185, %unique3A_186 = tpu.scan_count mask(%broadcast_in_dim3A_184 : vector<16xi1>) value(%get3A_182 : vector<16xi32>) : vector<16xi1>, vector<16xi32>
      %gather3A_187 = tpu.vector_load_idx %arg15[%get3A_182] : memref<10112xf32, #tpu.memory_space<vmem>>[vector<16xi32>], vector<16xf32>,
      %convert_element_type3A_188 = arith.sitofp %unique3A_186 : vector<16xi32> to vector<16xf32>
      %add3A_189 = arith.addf %gather3A_187, %convert_element_type3A_188 : vector<16xf32>
      tpu.vector_store_idx %arg15[%get3A_182], %add3A_189 masked %unique3A_185 : memref<10112xf32, #tpu.memory_space<vmem>>[vector<16xi32>], vector<16xf32>, vector<16xi1>
      %get3A_190 = arith.constant 48 : index
      %get3A_191 = tpu.vector_load %arg14[%get3A_190] {strides = array<i32>} : memref<80xi32, #tpu.memory_space<vmem>>, vector<16xi32>,
      %broadcast_in_dim3A_192 = arith.constant true
      %broadcast_in_dim3A_193 = vector.broadcast %broadcast_in_dim3A_192 : i1 to vector<16xi1>
      %unique3A_194, %unique3A_195 = tpu.scan_count mask(%broadcast_in_dim3A_193 : vector<16xi1>) value(%get3A_191 : vector<16xi32>) : vector<16xi1>, vector<16xi32>
      %gather3A_196 = tpu.vector_load_idx %arg15[%get3A_191] : memref<10112xf32, #tpu.memory_space<vmem>>[vector<16xi32>], vector<16xf32>,
      %convert_element_type3A_197 = arith.sitofp %unique3A_195 : vector<16xi32> to vector<16xf32>
      %add3A_198 = arith.addf %gather3A_196, %convert_element_type3A_197 : vector<16xf32>
      tpu.vector_store_idx %arg15[%get3A_191], %add3A_198 masked %unique3A_194 : memref<10112xf32, #tpu.memory_space<vmem>>[vector<16xi32>], vector<16xf32>, vector<16xi1>
      %get3A_199 = arith.constant 64 : index
      %get3A_200 = tpu.vector_load %arg14[%get3A_199] {strides = array<i32>} : memref<80xi32, #tpu.memory_space<vmem>>, vector<16xi32>,
      %broadcast_in_dim3A_201 = arith.constant true
      %broadcast_in_dim3A_202 = vector.broadcast %broadcast_in_dim3A_201 : i1 to vector<16xi1>
      %unique3A_203, %unique3A_204 = tpu.scan_count mask(%broadcast_in_dim3A_202 : vector<16xi1>) value(%get3A_200 : vector<16xi32>) : vector<16xi1>, vector<16xi32>
      %gather3A_205 = tpu.vector_load_idx %arg15[%get3A_200] : memref<10112xf32, #tpu.memory_space<vmem>>[vector<16xi32>], vector<16xf32>,
      %convert_element_type3A_206 = arith.sitofp %unique3A_204 : vector<16xi32> to vector<16xf32>
      %add3A_207 = arith.addf %gather3A_205, %convert_element_type3A_206 : vector<16xf32>
      tpu.vector_store_idx %arg15[%get3A_200], %add3A_207 masked %unique3A_203 : memref<10112xf32, #tpu.memory_space<vmem>>[vector<16xi32>], vector<16xf32>, vector<16xi1>
      %dma_wait3A_208 = arith.constant 0 : i32
      %dma_wait3A_209 = arith.constant 0 : i32
      %dma_wait3A_210 = tpu.memref_slice %arg9[%dma_wait3A_208, %dma_wait3A_209] : memref<10112x128xf32, #tpu.memory_space<vmem_shared>> -> memref<10112x128xf32, #tpu.memory_space<vmem_shared>>
      tpu.wait_indirect_dma semaphore(%arg20 : memref<!tpu.dma_semaphore, #tpu.memory_space<semaphore_mem>>) src(%arg12 : memref<80x128xf32, #tpu.memory_space<vmem>>) dst(%dma_wait3A_210 : memref<10112x128xf32, #tpu.memory_space<vmem_shared>>)
      %add3A_211 = arith.constant 2 : i32
      %add3A_212 = arith.addi %add3A_148, %add3A_211 : i32
      %lt3A_213 = arith.cmpi slt, %add3A_212, %select_n3A : i32
      %convert_element_type3A_214 = arith.extui %lt3A_213 : i1 to i32
      %cond3A_215 = arith.constant 0 : i32
      %cond3A_216 = arith.cmpi ne, %convert_element_type3A_214, %cond3A_215 : i32
      scf.if %cond3A_216 {
        %add3A_217 = arith.constant 2 : i32
        %add3A_218 = arith.addi %add3A_148, %add3A_217 : i32
        %mul3A_219 = arith.constant 80 : i32
        %mul3A_220 = arith.muli %add3A_218, %mul3A_219 : i32
        %dma_start3A_221 = tpu.memref_slice %arg10[%mul3A_220] : memref<10240xi32, #tpu.memory_space<vmem>> -> memref<80xi32, #tpu.memory_space<vmem>>
        %dma_start3A_222 = arith.constant 0 : i32
        %dma_start3A_223 = arith.constant 0 : i32
        %dma_start3A_224 = tpu.memref_slice %arg2[%dma_start3A_222, %dma_start3A_223] : memref<10000x128xf32, #tpu.memory_space<hbm>> -> memref<10000x128xf32, #tpu.memory_space<hbm>>
        tpu.enqueue_indirect_dma source(%dma_start3A_224 : memref<10000x128xf32, #tpu.memory_space<hbm>>) target(%arg12 : memref<80x128xf32, #tpu.memory_space<vmem>>) offsets(%dma_start3A_221 : memref<80xi32, #tpu.memory_space<vmem>>) semaphore(%arg17 : memref<!tpu.dma_semaphore, #tpu.memory_space<semaphore_mem>>)
        %add3A_225 = arith.constant 2 : i32
        %add3A_226 = arith.addi %add3A_148, %add3A_225 : i32
        %mul3A_227 = arith.constant 80 : i32
        %mul3A_228 = arith.muli %add3A_226, %mul3A_227 : i32
        %add3A_229 = arith.addi %select_n3A_11, %mul3A_228 : i32
        %dma_start3A_230 = tpu.memref_slice %arg4[%add3A_229] : memref<320000xi32, #tpu.memory_space<hbm>> -> memref<80xi32, #tpu.memory_space<hbm>>
        %dma_start3A_231 = tpu.memref_slice %arg4[%add3A_229] : memref<320000xi32, #tpu.memory_space<hbm>> -> memref<80xi32, #tpu.memory_space<hbm>>
        tpu.enqueue_dma source(%dma_start3A_231 : memref<80xi32, #tpu.memory_space<hbm>>) target(%arg14 : memref<80xi32, #tpu.memory_space<vmem>>) target_semaphore(%arg19 : memref<!tpu.dma_semaphore, #tpu.memory_space<semaphore_mem>>)
      } else {
      }
    }
    %while3A_67 = arith.constant 1 : i32
    scf.for %while3A_78 = %while3A_65 to %while3A_61 step %while3A_67  : i32 {
      %mul3A_79 = arith.constant 2 : i32
      %mul3A_80 = arith.muli %while3A_78, %mul3A_79 : i32
      %add3A_81 = arith.constant 0 : i32
      %add3A_82 = arith.addi %mul3A_80, %add3A_81 : i32
      %mul3A_83 = arith.constant 80 : i32
      %mul3A_84 = arith.muli %add3A_82, %mul3A_83 : i32
      %dma_wait3A = tpu.memref_slice %arg10[%mul3A_84] : memref<10240xi32, #tpu.memory_space<vmem>> -> memref<80xi32, #tpu.memory_space<vmem>>
      %dma_wait3A_85 = arith.constant 0 : i32
      %dma_wait3A_86 = arith.constant 0 : i32
      %dma_wait3A_87 = tpu.memref_slice %arg2[%dma_wait3A_85, %dma_wait3A_86] : memref<10000x128xf32, #tpu.memory_space<hbm>> -> memref<10000x128xf32, #tpu.memory_space<hbm>>
      tpu.wait_indirect_dma semaphore(%arg16 : memref<!tpu.dma_semaphore, #tpu.memory_space<semaphore_mem>>) src(%dma_wait3A_87 : memref<10000x128xf32, #tpu.memory_space<hbm>>) dst(%arg11 : memref<80x128xf32, #tpu.memory_space<vmem>>)
      %mul3A_88 = arith.constant 80 : i32
      %mul3A_89 = arith.muli %add3A_82, %mul3A_88 : i32
      %add3A_90 = arith.addi %select_n3A_11, %mul3A_89 : i32
      %dma_wait3A_91 = tpu.memref_slice %arg4[%add3A_90] : memref<320000xi32, #tpu.memory_space<hbm>> -> memref<80xi32, #tpu.memory_space<hbm>>
      %dma_wait3A_92 = tpu.memref_slice %arg4[%add3A_90] : memref<320000xi32, #tpu.memory_space<hbm>> -> memref<80xi32, #tpu.memory_space<hbm>>
      tpu.wait_dma2 semaphore(%arg18 : memref<!tpu.dma_semaphore, #tpu.memory_space<semaphore_mem>>) src(%dma_wait3A_92 : memref<80xi32, #tpu.memory_space<hbm>>) dst(%arg13 : memref<80xi32, #tpu.memory_space<vmem>>)
      %dma_start3A_93 = arith.constant 0 : i32
      %dma_start3A_94 = arith.constant 0 : i32
      %dma_start3A_95 = tpu.memref_slice %arg9[%dma_start3A_93, %dma_start3A_94] : memref<10112x128xf32, #tpu.memory_space<vmem_shared>> -> memref<10112x128xf32, #tpu.memory_space<vmem_shared>>
      tpu.enqueue_indirect_dma source(%arg11 : memref<80x128xf32, #tpu.memory_space<vmem>>) target(%dma_start3A_95 : memref<10112x128xf32, #tpu.memory_space<vmem_shared>>) offsets(%arg13 : memref<80xi32, #tpu.memory_space<vmem>>) semaphore(%arg20 : memref<!tpu.dma_semaphore, #tpu.memory_space<semaphore_mem>>) {add = true}
      %get3A = arith.constant 0 : index
      %get3A_96 = tpu.vector_load %arg13[%get3A] {strides = array<i32>} : memref<80xi32, #tpu.memory_space<vmem>>, vector<16xi32>,
      %broadcast_in_dim3A = arith.constant true
      %broadcast_in_dim3A_97 = vector.broadcast %broadcast_in_dim3A : i1 to vector<16xi1>
      %unique3A, %unique3A_98 = tpu.scan_count mask(%broadcast_in_dim3A_97 : vector<16xi1>) value(%get3A_96 : vector<16xi32>) : vector<16xi1>, vector<16xi32>
      %gather3A = tpu.vector_load_idx %arg15[%get3A_96] : memref<10112xf32, #tpu.memory_space<vmem>>[vector<16xi32>], vector<16xf32>,
      %convert_element_type3A_99 = arith.sitofp %unique3A_98 : vector<16xi32> to vector<16xf32>
      %add3A_100 = arith.addf %gather3A, %convert_element_type3A_99 : vector<16xf32>
      tpu.vector_store_idx %arg15[%get3A_96], %add3A_100 masked %unique3A : memref<10112xf32, #tpu.memory_space<vmem>>[vector<16xi32>], vector<16xf32>, vector<16xi1>
      %get3A_101 = arith.constant 16 : index
      %get3A_102 = tpu.vector_load %arg13[%get3A_101] {strides = array<i32>} : memref<80xi32, #tpu.memory_space<vmem>>, vector<16xi32>,
      %broadcast_in_dim3A_103 = arith.constant true
      %broadcast_in_dim3A_104 = vector.broadcast %broadcast_in_dim3A_103 : i1 to vector<16xi1>
      %unique3A_105, %unique3A_106 = tpu.scan_count mask(%broadcast_in_dim3A_104 : vector<16xi1>) value(%get3A_102 : vector<16xi32>) : vector<16xi1>, vector<16xi32>
      %gather3A_107 = tpu.vector_load_idx %arg15[%get3A_102] : memref<10112xf32, #tpu.memory_space<vmem>>[vector<16xi32>], vector<16xf32>,
      %convert_element_type3A_108 = arith.sitofp %unique3A_106 : vector<16xi32> to vector<16xf32>
      %add3A_109 = arith.addf %gather3A_107, %convert_element_type3A_108 : vector<16xf32>
      tpu.vector_store_idx %arg15[%get3A_102], %add3A_109 masked %unique3A_105 : memref<10112xf32, #tpu.memory_space<vmem>>[vector<16xi32>], vector<16xf32>, vector<16xi1>
      %get3A_110 = arith.constant 32 : index
      %get3A_111 = tpu.vector_load %arg13[%get3A_110] {strides = array<i32>} : memref<80xi32, #tpu.memory_space<vmem>>, vector<16xi32>,
      %broadcast_in_dim3A_112 = arith.constant true
      %broadcast_in_dim3A_113 = vector.broadcast %broadcast_in_dim3A_112 : i1 to vector<16xi1>
      %unique3A_114, %unique3A_115 = tpu.scan_count mask(%broadcast_in_dim3A_113 : vector<16xi1>) value(%get3A_111 : vector<16xi32>) : vector<16xi1>, vector<16xi32>
      %gather3A_116 = tpu.vector_load_idx %arg15[%get3A_111] : memref<10112xf32, #tpu.memory_space<vmem>>[vector<16xi32>], vector<16xf32>,
      %convert_element_type3A_117 = arith.sitofp %unique3A_115 : vector<16xi32> to vector<16xf32>
      %add3A_118 = arith.addf %gather3A_116, %convert_element_type3A_117 : vector<16xf32>
      tpu.vector_store_idx %arg15[%get3A_111], %add3A_118 masked %unique3A_114 : memref<10112xf32, #tpu.memory_space<vmem>>[vector<16xi32>], vector<16xf32>, vector<16xi1>
      %get3A_119 = arith.constant 48 : index
      %get3A_120 = tpu.vector_load %arg13[%get3A_119] {strides = array<i32>} : memref<80xi32, #tpu.memory_space<vmem>>, vector<16xi32>,
      %broadcast_in_dim3A_121 = arith.constant true
      %broadcast_in_dim3A_122 = vector.broadcast %broadcast_in_dim3A_121 : i1 to vector<16xi1>
      %unique3A_123, %unique3A_124 = tpu.scan_count mask(%broadcast_in_dim3A_122 : vector<16xi1>) value(%get3A_120 : vector<16xi32>) : vector<16xi1>, vector<16xi32>
      %gather3A_125 = tpu.vector_load_idx %arg15[%get3A_120] : memref<10112xf32, #tpu.memory_space<vmem>>[vector<16xi32>], vector<16xf32>,
      %convert_element_type3A_126 = arith.sitofp %unique3A_124 : vector<16xi32> to vector<16xf32>
      %add3A_127 = arith.addf %gather3A_125, %convert_element_type3A_126 : vector<16xf32>
      tpu.vector_store_idx %arg15[%get3A_120], %add3A_127 masked %unique3A_123 : memref<10112xf32, #tpu.memory_space<vmem>>[vector<16xi32>], vector<16xf32>, vector<16xi1>
      %get3A_128 = arith.constant 64 : index
      %get3A_129 = tpu.vector_load %arg13[%get3A_128] {strides = array<i32>} : memref<80xi32, #tpu.memory_space<vmem>>, vector<16xi32>,
      %broadcast_in_dim3A_130 = arith.constant true
      %broadcast_in_dim3A_131 = vector.broadcast %broadcast_in_dim3A_130 : i1 to vector<16xi1>
      %unique3A_132, %unique3A_133 = tpu.scan_count mask(%broadcast_in_dim3A_131 : vector<16xi1>) value(%get3A_129 : vector<16xi32>) : vector<16xi1>, vector<16xi32>
      %gather3A_134 = tpu.vector_load_idx %arg15[%get3A_129] : memref<10112xf32, #tpu.memory_space<vmem>>[vector<16xi32>], vector<16xf32>,
      %convert_element_type3A_135 = arith.sitofp %unique3A_133 : vector<16xi32> to vector<16xf32>
      %add3A_136 = arith.addf %gather3A_134, %convert_element_type3A_135 : vector<16xf32>
      tpu.vector_store_idx %arg15[%get3A_129], %add3A_136 masked %unique3A_132 : memref<10112xf32, #tpu.memory_space<vmem>>[vector<16xi32>], vector<16xf32>, vector<16xi1>
      %dma_wait3A_137 = arith.constant 0 : i32
      %dma_wait3A_138 = arith.constant 0 : i32
      %dma_wait3A_139 = tpu.memref_slice %arg9[%dma_wait3A_137, %dma_wait3A_138] : memref<10112x128xf32, #tpu.memory_space<vmem_shared>> -> memref<10112x128xf32, #tpu.memory_space<vmem_shared>>
      tpu.wait_indirect_dma semaphore(%arg20 : memref<!tpu.dma_semaphore, #tpu.memory_space<semaphore_mem>>) src(%arg11 : memref<80x128xf32, #tpu.memory_space<vmem>>) dst(%dma_wait3A_139 : memref<10112x128xf32, #tpu.memory_space<vmem_shared>>)
      %add3A_140 = arith.constant 2 : i32
      %add3A_141 = arith.addi %add3A_82, %add3A_140 : i32
      %lt3A = arith.cmpi slt, %add3A_141, %select_n3A : i32
      %convert_element_type3A_142 = arith.extui %lt3A : i1 to i32
      %cond3A_143 = arith.constant 0 : i32
      %cond3A_144 = arith.cmpi ne, %convert_element_type3A_142, %cond3A_143 : i32
      scf.if %cond3A_144 {
        %add3A_217 = arith.constant 2 : i32
        %add3A_218 = arith.addi %add3A_82, %add3A_217 : i32
        %mul3A_219 = arith.constant 80 : i32
        %mul3A_220 = arith.muli %add3A_218, %mul3A_219 : i32
        %dma_start3A_221 = tpu.memref_slice %arg10[%mul3A_220] : memref<10240xi32, #tpu.memory_space<vmem>> -> memref<80xi32, #tpu.memory_space<vmem>>
        %dma_start3A_222 = arith.constant 0 : i32
        %dma_start3A_223 = arith.constant 0 : i32
        %dma_start3A_224 = tpu.memref_slice %arg2[%dma_start3A_222, %dma_start3A_223] : memref<10000x128xf32, #tpu.memory_space<hbm>> -> memref<10000x128xf32, #tpu.memory_space<hbm>>
        tpu.enqueue_indirect_dma source(%dma_start3A_224 : memref<10000x128xf32, #tpu.memory_space<hbm>>) target(%arg11 : memref<80x128xf32, #tpu.memory_space<vmem>>) offsets(%dma_start3A_221 : memref<80xi32, #tpu.memory_space<vmem>>) semaphore(%arg16 : memref<!tpu.dma_semaphore, #tpu.memory_space<semaphore_mem>>)
        %add3A_225 = arith.constant 2 : i32
        %add3A_226 = arith.addi %add3A_82, %add3A_225 : i32
        %mul3A_227 = arith.constant 80 : i32
        %mul3A_228 = arith.muli %add3A_226, %mul3A_227 : i32
        %add3A_229 = arith.addi %select_n3A_11, %mul3A_228 : i32
        %dma_start3A_230 = tpu.memref_slice %arg4[%add3A_229] : memref<320000xi32, #tpu.memory_space<hbm>> -> memref<80xi32, #tpu.memory_space<hbm>>
        %dma_start3A_231 = tpu.memref_slice %arg4[%add3A_229] : memref<320000xi32, #tpu.memory_space<hbm>> -> memref<80xi32, #tpu.memory_space<hbm>>
        tpu.enqueue_dma source(%dma_start3A_231 : memref<80xi32, #tpu.memory_space<hbm>>) target(%arg13 : memref<80xi32, #tpu.memory_space<vmem>>) target_semaphore(%arg18 : memref<!tpu.dma_semaphore, #tpu.memory_space<semaphore_mem>>)
      } else {
      }
      %mul3A_145 = arith.constant 2 : i32
      %mul3A_146 = arith.muli %while3A_78, %mul3A_145 : i32
      %add3A_147 = arith.constant 1 : i32
      %add3A_148 = arith.addi %mul3A_146, %add3A_147 : i32
      %mul3A_149 = arith.constant 80 : i32
      %mul3A_150 = arith.muli %add3A_148, %mul3A_149 : i32
      %dma_wait3A_151 = tpu.memref_slice %arg10[%mul3A_150] : memref<10240xi32, #tpu.memory_space<vmem>> -> memref<80xi32, #tpu.memory_space<vmem>>
      %dma_wait3A_152 = arith.constant 0 : i32
      %dma_wait3A_153 = arith.constant 0 : i32
      %dma_wait3A_154 = tpu.memref_slice %arg2[%dma_wait3A_152, %dma_wait3A_153] : memref<10000x128xf32, #tpu.memory_space<hbm>> -> memref<10000x128xf32, #tpu.memory_space<hbm>>
      tpu.wait_indirect_dma semaphore(%arg17 : memref<!tpu.dma_semaphore, #tpu.memory_space<semaphore_mem>>) src(%dma_wait3A_154 : memref<10000x128xf32, #tpu.memory_space<hbm>>) dst(%arg12 : memref<80x128xf32, #tpu.memory_space<vmem>>)
      %mul3A_155 = arith.constant 80 : i32
      %mul3A_156 = arith.muli %add3A_148, %mul3A_155 : i32
      %add3A_157 = arith.addi %select_n3A_11, %mul3A_156 : i32
      %dma_wait3A_158 = tpu.memref_slice %arg4[%add3A_157] : memref<320000xi32, #tpu.memory_space<hbm>> -> memref<80xi32, #tpu.memory_space<hbm>>
      %dma_wait3A_159 = tpu.memref_slice %arg4[%add3A_157] : memref<320000xi32, #tpu.memory_space<hbm>> -> memref<80xi32, #tpu.memory_space<hbm>>
      tpu.wait_dma2 semaphore(%arg19 : memref<!tpu.dma_semaphore, #tpu.memory_space<semaphore_mem>>) src(%dma_wait3A_159 : memref<80xi32, #tpu.memory_space<hbm>>) dst(%arg14 : memref<80xi32, #tpu.memory_space<vmem>>)
      %dma_start3A_160 = arith.constant 0 : i32
      %dma_start3A_161 = arith.constant 0 : i32
      %dma_start3A_162 = tpu.memref_slice %arg9[%dma_start3A_160, %dma_start3A_161] : memref<10112x128xf32, #tpu.memory_space<vmem_shared>> -> memref<10112x128xf32, #tpu.memory_space<vmem_shared>>
      tpu.enqueue_indirect_dma source(%arg12 : memref<80x128xf32, #tpu.memory_space<vmem>>) target(%dma_start3A_162 : memref<10112x128xf32, #tpu.memory_space<vmem_shared>>) offsets(%arg14 : memref<80xi32, #tpu.memory_space<vmem>>) semaphore(%arg20 : memref<!tpu.dma_semaphore, #tpu.memory_space<semaphore_mem>>) {add = true}
      %get3A_163 = arith.constant 0 : index
      %get3A_164 = tpu.vector_load %arg14[%get3A_163] {strides = array<i32>} : memref<80xi32, #tpu.memory_space<vmem>>, vector<16xi32>,
      %broadcast_in_dim3A_165 = arith.constant true
      %broadcast_in_dim3A_166 = vector.broadcast %broadcast_in_dim3A_165 : i1 to vector<16xi1>
      %unique3A_167, %unique3A_168 = tpu.scan_count mask(%broadcast_in_dim3A_166 : vector<16xi1>) value(%get3A_164 : vector<16xi32>) : vector<16xi1>, vector<16xi32>
      %gather3A_169 = tpu.vector_load_idx %arg15[%get3A_164] : memref<10112xf32, #tpu.memory_space<vmem>>[vector<16xi32>], vector<16xf32>,
      %convert_element_type3A_170 = arith.sitofp %unique3A_168 : vector<16xi32> to vector<16xf32>
      %add3A_171 = arith.addf %gather3A_169, %convert_element_type3A_170 : vector<16xf32>
      tpu.vector_store_idx %arg15[%get3A_164], %add3A_171 masked %unique3A_167 : memref<10112xf32, #tpu.memory_space<vmem>>[vector<16xi32>], vector<16xf32>, vector<16xi1>
      %get3A_172 = arith.constant 16 : index
      %get3A_173 = tpu.vector_load %arg14[%get3A_172] {strides = array<i32>} : memref<80xi32, #tpu.memory_space<vmem>>, vector<16xi32>,
      %broadcast_in_dim3A_174 = arith.constant true
      %broadcast_in_dim3A_175 = vector.broadcast %broadcast_in_dim3A_174 : i1 to vector<16xi1>
      %unique3A_176, %unique3A_177 = tpu.scan_count mask(%broadcast_in_dim3A_175 : vector<16xi1>) value(%get3A_173 : vector<16xi32>) : vector<16xi1>, vector<16xi32>
      %gather3A_178 = tpu.vector_load_idx %arg15[%get3A_173] : memref<10112xf32, #tpu.memory_space<vmem>>[vector<16xi32>], vector<16xf32>,
      %convert_element_type3A_179 = arith.sitofp %unique3A_177 : vector<16xi32> to vector<16xf32>
      %add3A_180 = arith.addf %gather3A_178, %convert_element_type3A_179 : vector<16xf32>
      tpu.vector_store_idx %arg15[%get3A_173], %add3A_180 masked %unique3A_176 : memref<10112xf32, #tpu.memory_space<vmem>>[vector<16xi32>], vector<16xf32>, vector<16xi1>
      %get3A_181 = arith.constant 32 : index
      %get3A_182 = tpu.vector_load %arg14[%get3A_181] {strides = array<i32>} : memref<80xi32, #tpu.memory_space<vmem>>, vector<16xi32>,
      %broadcast_in_dim3A_183 = arith.constant true
      %broadcast_in_dim3A_184 = vector.broadcast %broadcast_in_dim3A_183 : i1 to vector<16xi1>
      %unique3A_185, %unique3A_186 = tpu.scan_count mask(%broadcast_in_dim3A_184 : vector<16xi1>) value(%get3A_182 : vector<16xi32>) : vector<16xi1>, vector<16xi32>
      %gather3A_187 = tpu.vector_load_idx %arg15[%get3A_182] : memref<10112xf32, #tpu.memory_space<vmem>>[vector<16xi32>], vector<16xf32>,
      %convert_element_type3A_188 = arith.sitofp %unique3A_186 : vector<16xi32> to vector<16xf32>
      %add3A_189 = arith.addf %gather3A_187, %convert_element_type3A_188 : vector<16xf32>
      tpu.vector_store_idx %arg15[%get3A_182], %add3A_189 masked %unique3A_185 : memref<10112xf32, #tpu.memory_space<vmem>>[vector<16xi32>], vector<16xf32>, vector<16xi1>
      %get3A_190 = arith.constant 48 : index
      %get3A_191 = tpu.vector_load %arg14[%get3A_190] {strides = array<i32>} : memref<80xi32, #tpu.memory_space<vmem>>, vector<16xi32>,
      %broadcast_in_dim3A_192 = arith.constant true
      %broadcast_in_dim3A_193 = vector.broadcast %broadcast_in_dim3A_192 : i1 to vector<16xi1>
      %unique3A_194, %unique3A_195 = tpu.scan_count mask(%broadcast_in_dim3A_193 : vector<16xi1>) value(%get3A_191 : vector<16xi32>) : vector<16xi1>, vector<16xi32>
      %gather3A_196 = tpu.vector_load_idx %arg15[%get3A_191] : memref<10112xf32, #tpu.memory_space<vmem>>[vector<16xi32>], vector<16xf32>,
      %convert_element_type3A_197 = arith.sitofp %unique3A_195 : vector<16xi32> to vector<16xf32>
      %add3A_198 = arith.addf %gather3A_196, %convert_element_type3A_197 : vector<16xf32>
      tpu.vector_store_idx %arg15[%get3A_191], %add3A_198 masked %unique3A_194 : memref<10112xf32, #tpu.memory_space<vmem>>[vector<16xi32>], vector<16xf32>, vector<16xi1>
      %get3A_199 = arith.constant 64 : index
      %get3A_200 = tpu.vector_load %arg14[%get3A_199] {strides = array<i32>} : memref<80xi32, #tpu.memory_space<vmem>>, vector<16xi32>,
      %broadcast_in_dim3A_201 = arith.constant true
      %broadcast_in_dim3A_202 = vector.broadcast %broadcast_in_dim3A_201 : i1 to vector<16xi1>
      %unique3A_203, %unique3A_204 = tpu.scan_count mask(%broadcast_in_dim3A_202 : vector<16xi1>) value(%get3A_200 : vector<16xi32>) : vector<16xi1>, vector<16xi32>
      %gather3A_205 = tpu.vector_load_idx %arg15[%get3A_200] : memref<10112xf32, #tpu.memory_space<vmem>>[vector<16xi32>], vector<16xf32>,
      %convert_element_type3A_206 = arith.sitofp %unique3A_204 : vector<16xi32> to vector<16xf32>
      %add3A_207 = arith.addf %gather3A_205, %convert_element_type3A_206 : vector<16xf32>
      tpu.vector_store_idx %arg15[%get3A_200], %add3A_207 masked %unique3A_203 : memref<10112xf32, #tpu.memory_space<vmem>>[vector<16xi32>], vector<16xf32>, vector<16xi1>
      %dma_wait3A_208 = arith.constant 0 : i32
      %dma_wait3A_209 = arith.constant 0 : i32
      %dma_wait3A_210 = tpu.memref_slice %arg9[%dma_wait3A_208, %dma_wait3A_209] : memref<10112x128xf32, #tpu.memory_space<vmem_shared>> -> memref<10112x128xf32, #tpu.memory_space<vmem_shared>>
      tpu.wait_indirect_dma semaphore(%arg20 : memref<!tpu.dma_semaphore, #tpu.memory_space<semaphore_mem>>) src(%arg12 : memref<80x128xf32, #tpu.memory_space<vmem>>) dst(%dma_wait3A_210 : memref<10112x128xf32, #tpu.memory_space<vmem_shared>>)
      %add3A_211 = arith.constant 2 : i32
      %add3A_212 = arith.addi %add3A_148, %add3A_211 : i32
      %lt3A_213 = arith.cmpi slt, %add3A_212, %select_n3A : i32
      %convert_element_type3A_214 = arith.extui %lt3A_213 : i1 to i32
      %cond3A_215 = arith.constant 0 : i32
      %cond3A_216 = arith.cmpi ne, %convert_element_type3A_214, %cond3A_215 : i32
      scf.if %cond3A_216 {
        %add3A_217 = arith.constant 2 : i32
        %add3A_218 = arith.addi %add3A_148, %add3A_217 : i32
        %mul3A_219 = arith.constant 80 : i32
        %mul3A_220 = arith.muli %add3A_218, %mul3A_219 : i32
        %dma_start3A_221 = tpu.memref_slice %arg10[%mul3A_220] : memref<10240xi32, #tpu.memory_space<vmem>> -> memref<80xi32, #tpu.memory_space<vmem>>
        %dma_start3A_222 = arith.constant 0 : i32
        %dma_start3A_223 = arith.constant 0 : i32
        %dma_start3A_224 = tpu.memref_slice %arg2[%dma_start3A_222, %dma_start3A_223] : memref<10000x128xf32, #tpu.memory_space<hbm>> -> memref<10000x128xf32, #tpu.memory_space<hbm>>
        tpu.enqueue_indirect_dma source(%dma_start3A_224 : memref<10000x128xf32, #tpu.memory_space<hbm>>) target(%arg12 : memref<80x128xf32, #tpu.memory_space<vmem>>) offsets(%dma_start3A_221 : memref<80xi32, #tpu.memory_space<vmem>>) semaphore(%arg17 : memref<!tpu.dma_semaphore, #tpu.memory_space<semaphore_mem>>)
        %add3A_225 = arith.constant 2 : i32
        %add3A_226 = arith.addi %add3A_148, %add3A_225 : i32
        %mul3A_227 = arith.constant 80 : i32
        %mul3A_228 = arith.muli %add3A_226, %mul3A_227 : i32
        %add3A_229 = arith.addi %select_n3A_11, %mul3A_228 : i32
        %dma_start3A_230 = tpu.memref_slice %arg4[%add3A_229] : memref<320000xi32, #tpu.memory_space<hbm>> -> memref<80xi32, #tpu.memory_space<hbm>>
        %dma_start3A_231 = tpu.memref_slice %arg4[%add3A_229] : memref<320000xi32, #tpu.memory_space<hbm>> -> memref<80xi32, #tpu.memory_space<hbm>>
        tpu.enqueue_dma source(%dma_start3A_231 : memref<80xi32, #tpu.memory_space<hbm>>) target(%arg14 : memref<80xi32, #tpu.memory_space<vmem>>) target_semaphore(%arg19 : memref<!tpu.dma_semaphore, #tpu.memory_space<semaphore_mem>>)
      } else {
      }
    }
    %mul3A_68 = arith.constant 10112 : i32
    %mul3A_69 = arith.muli %add3A, %mul3A_68 : i32
    "tpu.region"() ({
      %run_scoped3A = tpu.sem_alloc : memref<!tpu.dma_semaphore, #tpu.memory_space<semaphore_mem>>
      %dma_start3A_78 = tpu.memref_slice %arg8[%mul3A_69] : memref<323584xf32, #tpu.memory_space<hbm>> -> memref<10112xf32, #tpu.memory_space<hbm>>
      %dma_start3A_79 = tpu.memref_slice %arg8[%mul3A_69] : memref<323584xf32, #tpu.memory_space<hbm>> -> memref<10112xf32, #tpu.memory_space<hbm>>
      tpu.enqueue_dma source(%arg15 : memref<10112xf32, #tpu.memory_space<vmem>>) target(%dma_start3A_79 : memref<10112xf32, #tpu.memory_space<hbm>>) target_semaphore(%run_scoped3A : memref<!tpu.dma_semaphore, #tpu.memory_space<semaphore_mem>>)
      %dma_wait3A = tpu.memref_slice %arg8[%mul3A_69] : memref<323584xf32, #tpu.memory_space<hbm>> -> memref<10112xf32, #tpu.memory_space<hbm>>
      %dma_wait3A_80 = tpu.memref_slice %arg8[%mul3A_69] : memref<323584xf32, #tpu.memory_space<hbm>> -> memref<10112xf32, #tpu.memory_space<hbm>>
      tpu.wait_dma2 semaphore(%run_scoped3A : memref<!tpu.dma_semaphore, #tpu.memory_space<semaphore_mem>>) src(%arg15 : memref<10112xf32, #tpu.memory_space<vmem>>) dst(%dma_wait3A_80 : memref<10112xf32, #tpu.memory_space<hbm>>)
      tpu.yield
    }) : () -> ()
    %barrier3A_70 = arith.constant 0 : index
    tpu.barrier barrier_id(%barrier3A_70)
    %mul3A_71 = arith.constant 10112 : i32
    %mul3A_72 = arith.muli %arg0, %mul3A_71 : i32
    %mul3A_73 = arith.constant 632 : i32
    %mul3A_74 = arith.muli %arg1, %mul3A_73 : i32
    %add3A_75 = arith.addi %mul3A_72, %mul3A_74 : i32
    %mul3A_76 = arith.constant 632 : i32
    %mul3A_77 = arith.muli %arg1, %mul3A_76 : i32
    "tpu.region"() ({
      %run_scoped3A = tpu.sem_alloc : memref<!tpu.dma_semaphore, #tpu.memory_space<semaphore_mem>>
      %dma_start3A_78 = arith.constant 0 : i32
      %dma_start3A_79 = tpu.memref_slice %arg7[%add3A_75, %dma_start3A_78] : memref<20224x128xf32, #tpu.memory_space<hbm>> -> memref<632x128xf32, #tpu.memory_space<hbm>>
      %dma_start3A_80 = arith.constant 0 : i32
      %dma_start3A_81 = tpu.memref_slice %arg9[%mul3A_77, %dma_start3A_80] : memref<10112x128xf32, #tpu.memory_space<vmem_shared>> -> memref<632x128xf32, #tpu.memory_space<vmem_shared>>
      tpu.enqueue_dma source(%dma_start3A_81 : memref<632x128xf32, #tpu.memory_space<vmem_shared>>) target(%dma_start3A_79 : memref<632x128xf32, #tpu.memory_space<hbm>>) target_semaphore(%run_scoped3A : memref<!tpu.dma_semaphore, #tpu.memory_space<semaphore_mem>>)
      %dma_wait3A = arith.constant 0 : i32
      %dma_wait3A_82 = tpu.memref_slice %arg7[%add3A_75, %dma_wait3A] : memref<20224x128xf32, #tpu.memory_space<hbm>> -> memref<632x128xf32, #tpu.memory_space<hbm>>
      %dma_wait3A_83 = arith.constant 0 : i32
      %dma_wait3A_84 = tpu.memref_slice %arg9[%mul3A_77, %dma_wait3A_83] : memref<10112x128xf32, #tpu.memory_space<vmem_shared>> -> memref<632x128xf32, #tpu.memory_space<vmem_shared>>
      tpu.wait_dma2 semaphore(%run_scoped3A : memref<!tpu.dma_semaphore, #tpu.memory_space<semaphore_mem>>) src(%dma_wait3A_84 : memref<632x128xf32, #tpu.memory_space<vmem_shared>>) dst(%dma_wait3A_82 : memref<632x128xf32, #tpu.memory_space<hbm>>)
      tpu.yield
    }) : () -> ()
    return
  }
}

module attributes {stable_mosaic.version = 14 : i64} {
  func.func @_tc_conv_body(%arg0: memref<2x10112x128xf32, #tpu.memory_space<vmem>>, %arg1: memref<10112x32xf32, #tpu.memory_space<vmem>>, %arg2: memref<128x128xf32, #tpu.memory_space<vmem>>, %arg3: memref<1x128xf32, #tpu.memory_space<vmem>>, %arg4: memref<1x128xf32, #tpu.memory_space<vmem>>, %arg5: memref<1x128xf32, #tpu.memory_space<vmem>>, %arg6: memref<10000x128xf32, #tpu.memory_space<vmem>>) attributes {dimension_semantics = [], scalar_prefetch = 0 : i64, scratch_operands = 0 : i64, tpu.core_type = #tpu.core_type<tc>} {
    %get3A = arith.constant 0 : index
    %get3A_0 = arith.constant 0 : index
    %get3A_1 = arith.constant 0 : index
    %get3A_2 = vector.load %arg0[%get3A, %get3A_0, %get3A_1] : memref<2x10112x128xf32, #tpu.memory_space<vmem>>, vector<1x10000x128xf32>
    %get3A_3 = vector.shape_cast %get3A_2 : vector<1x10000x128xf32> to vector<10000x128xf32>
    %get3A_4 = arith.constant 1 : index
    %get3A_5 = arith.constant 0 : index
    %get3A_6 = arith.constant 0 : index
    %get3A_7 = vector.load %arg0[%get3A_4, %get3A_5, %get3A_6] : memref<2x10112x128xf32, #tpu.memory_space<vmem>>, vector<1x10000x128xf32>
    %get3A_8 = vector.shape_cast %get3A_7 : vector<1x10000x128xf32> to vector<10000x128xf32>
    %add3A = arith.addf %get3A_3, %get3A_8 : vector<10000x128xf32>
    %get3A_9 = arith.constant 0 : index
    %get3A_10 = arith.constant 0 : index
    %get3A_11 = vector.load %arg1[%get3A_9, %get3A_10] : memref<10112x32xf32, #tpu.memory_space<vmem>>, vector<10112x32xf32>
    %reduce_sum3A = arith.constant dense<0.000000e+00> : vector<10112xf32>
    %reduce_sum3A_12 = vector.multi_reduction <add>, %get3A_11, %reduce_sum3A [1] : vector<10112x32xf32> to vector<10112xf32>
    %broadcast_in_dim3A = vector.shape_cast %reduce_sum3A_12 : vector<10112xf32> to vector<10112x1xf32>
    %slice3A = vector.extract_strided_slice %broadcast_in_dim3A {offsets = [0, 0], sizes = [10000, 1], strides = [1, 1]} : vector<10112x1xf32> to vector<10000x1xf32>
    %max3A = arith.constant 1.000000e+00 : f32
    %max3A_13 = vector.broadcast %max3A : f32 to vector<10000x1xf32>
    %max3A_14 = arith.maximumf %slice3A, %max3A_13 : vector<10000x1xf32>
    %div3A = arith.constant 1.000000e+00 : f32
    %div3A_15 = vector.broadcast %div3A : f32 to vector<10000x1xf32>
    %div3A_16 = arith.divf %div3A_15, %max3A_14 : vector<10000x1xf32>
    %mul3A = vector.broadcast %div3A_16 : vector<10000x1xf32> to vector<10000x128xf32>
    %mul3A_17 = arith.mulf %add3A, %mul3A : vector<10000x128xf32>
    %get3A_18 = arith.constant 0 : index
    %get3A_19 = arith.constant 0 : index
    %get3A_20 = vector.load %arg2[%get3A_18, %get3A_19] : memref<128x128xf32, #tpu.memory_space<vmem>>, vector<128x128xf32>
    %dot_general3A = arith.constant dense<0.000000e+00> : vector<10000x128xf32>
    %dot_general3A_21 = tpu.matmul %mul3A_17, %get3A_20, %dot_general3A {dimension_numbers = #tpu.dot_dimension_numbers<[1], [0], [0], [1], [0, 0, 1, 1], [], []>, transpose_lhs_hint = false} : vector<10000x128xf32>, vector<128x128xf32>, vector<10000x128xf32> -> vector<10000x128xf32>
    %get3A_22 = arith.constant 0 : index
    %get3A_23 = arith.constant 0 : index
    %get3A_24 = vector.load %arg3[%get3A_22, %get3A_23] : memref<1x128xf32, #tpu.memory_space<vmem>>, vector<1x128xf32>
    %add3A_25 = vector.broadcast %get3A_24 : vector<1x128xf32> to vector<10000x128xf32>
    %add3A_26 = arith.addf %dot_general3A_21, %add3A_25 : vector<10000x128xf32>
    %reduce_sum3A_27 = arith.constant dense<0.000000e+00> : vector<128xf32>
    %reduce_sum3A_28 = vector.multi_reduction <add>, %add3A_26, %reduce_sum3A_27 [0] : vector<10000x128xf32> to vector<128xf32>
    %broadcast_in_dim3A_29 = vector.shape_cast %reduce_sum3A_28 : vector<128xf32> to vector<1x128xf32>
    %div3A_30 = arith.constant 1.000000e+04 : f32
    %div3A_31 = vector.broadcast %div3A_30 : f32 to vector<1x128xf32>
    %div3A_32 = arith.divf %broadcast_in_dim3A_29, %div3A_31 : vector<1x128xf32>
    %sub3A = vector.broadcast %div3A_32 : vector<1x128xf32> to vector<10000x128xf32>
    %sub3A_33 = arith.subf %add3A_26, %sub3A : vector<10000x128xf32>
    %mul3A_34 = arith.mulf %sub3A_33, %sub3A_33 : vector<10000x128xf32>
    %reduce_sum3A_35 = arith.constant dense<0.000000e+00> : vector<128xf32>
    %reduce_sum3A_36 = vector.multi_reduction <add>, %mul3A_34, %reduce_sum3A_35 [0] : vector<10000x128xf32> to vector<128xf32>
    %broadcast_in_dim3A_37 = vector.shape_cast %reduce_sum3A_36 : vector<128xf32> to vector<1x128xf32>
    %div3A_38 = arith.constant 1.000000e+04 : f32
    %div3A_39 = vector.broadcast %div3A_38 : f32 to vector<1x128xf32>
    %div3A_40 = arith.divf %broadcast_in_dim3A_37, %div3A_39 : vector<1x128xf32>
    %get3A_41 = arith.constant 0 : index
    %get3A_42 = arith.constant 0 : index
    %get3A_43 = vector.load %arg4[%get3A_41, %get3A_42] : memref<1x128xf32, #tpu.memory_space<vmem>>, vector<1x128xf32>
    %mul3A_44 = vector.broadcast %get3A_43 : vector<1x128xf32> to vector<10000x128xf32>
    %mul3A_45 = arith.mulf %mul3A_44, %sub3A_33 : vector<10000x128xf32>
    %add3A_46 = arith.constant 9.99999974E-6 : f32
    %add3A_47 = vector.broadcast %add3A_46 : f32 to vector<1x128xf32>
    %add3A_48 = arith.addf %div3A_40, %add3A_47 : vector<1x128xf32>
    %sqrt3A = math.sqrt %add3A_48 : vector<1x128xf32>
    %div3A_49 = vector.broadcast %sqrt3A : vector<1x128xf32> to vector<10000x128xf32>
    %div3A_50 = arith.divf %mul3A_45, %div3A_49 : vector<10000x128xf32>
    %get3A_51 = arith.constant 0 : index
    %get3A_52 = arith.constant 0 : index
    %get3A_53 = vector.load %arg5[%get3A_51, %get3A_52] : memref<1x128xf32, #tpu.memory_space<vmem>>, vector<1x128xf32>
    %add3A_54 = vector.broadcast %get3A_53 : vector<1x128xf32> to vector<10000x128xf32>
    %add3A_55 = arith.addf %div3A_50, %add3A_54 : vector<10000x128xf32>
    %max3A_56 = arith.constant 0.000000e+00 : f32
    %max3A_57 = vector.broadcast %max3A_56 : f32 to vector<10000x128xf32>
    %max3A_58 = arith.maximumf %add3A_55, %max3A_57 : vector<10000x128xf32>
    %swap3A = arith.constant 0 : index
    %swap3A_59 = arith.constant 0 : index
    %swap3A_60 = vector.load %arg6[%swap3A, %swap3A_59] : memref<10000x128xf32, #tpu.memory_space<vmem>>, vector<10000x128xf32>
    tpu.vector_store %arg6[%swap3A, %swap3A_59], %max3A_58 {strides = array<i32>} : memref<10000x128xf32, #tpu.memory_space<vmem>>, vector<10000x128xf32>,
    return
  }
}

module attributes {stable_mosaic.version = 14 : i64} {
  func.func @_tc_final_body(%arg0: memref<2x10112x128xf32, #tpu.memory_space<vmem>>, %arg1: memref<10112x32xf32, #tpu.memory_space<vmem>>, %arg2: memref<1x10000xi32, #tpu.memory_space<vmem>>, %arg3: memref<128x128xf32, #tpu.memory_space<vmem>>, %arg4: memref<1x128xf32, #tpu.memory_space<vmem>>, %arg5: memref<1x128xf32, #tpu.memory_space<vmem>>, %arg6: memref<1x128xf32, #tpu.memory_space<vmem>>, %arg7: memref<128x64xf32, #tpu.memory_space<vmem>>, %arg8: memref<1x64xf32, #tpu.memory_space<vmem>>, %arg9: memref<64x64xf32, #tpu.memory_space<vmem>>, %arg10: memref<1x64xf32, #tpu.memory_space<vmem>>, %arg11: memref<64x64xf32, #tpu.memory_space<vmem>>, %arg12: memref<1x64xf32, #tpu.memory_space<vmem>>, %arg13: memref<64x64xf32, #tpu.memory_space<vmem>>, %arg14: memref<1x64xf32, #tpu.memory_space<vmem>>, %arg15: memref<64x10xf32, #tpu.memory_space<vmem>>, %arg16: memref<1x10xf32, #tpu.memory_space<vmem>>, %arg17: memref<100x10xf32, #tpu.memory_space<vmem>>) attributes {dimension_semantics = [], scalar_prefetch = 0 : i64, scratch_operands = 0 : i64, tpu.core_type = #tpu.core_type<tc>} {
    %get3A = arith.constant 0 : index
    %get3A_0 = arith.constant 0 : index
    %get3A_1 = arith.constant 0 : index
    %get3A_2 = vector.load %arg0[%get3A, %get3A_0, %get3A_1] : memref<2x10112x128xf32, #tpu.memory_space<vmem>>, vector<1x10000x128xf32>
    %get3A_3 = vector.shape_cast %get3A_2 : vector<1x10000x128xf32> to vector<10000x128xf32>
    %get3A_4 = arith.constant 1 : index
    %get3A_5 = arith.constant 0 : index
    %get3A_6 = arith.constant 0 : index
    %get3A_7 = vector.load %arg0[%get3A_4, %get3A_5, %get3A_6] : memref<2x10112x128xf32, #tpu.memory_space<vmem>>, vector<1x10000x128xf32>
    %get3A_8 = vector.shape_cast %get3A_7 : vector<1x10000x128xf32> to vector<10000x128xf32>
    %add3A = arith.addf %get3A_3, %get3A_8 : vector<10000x128xf32>
    %get3A_9 = arith.constant 0 : index
    %get3A_10 = arith.constant 0 : index
    %get3A_11 = vector.load %arg1[%get3A_9, %get3A_10] : memref<10112x32xf32, #tpu.memory_space<vmem>>, vector<10112x32xf32>
    %reduce_sum3A = arith.constant dense<0.000000e+00> : vector<10112xf32>
    %reduce_sum3A_12 = vector.multi_reduction <add>, %get3A_11, %reduce_sum3A [1] : vector<10112x32xf32> to vector<10112xf32>
    %broadcast_in_dim3A = vector.shape_cast %reduce_sum3A_12 : vector<10112xf32> to vector<10112x1xf32>
    %slice3A = vector.extract_strided_slice %broadcast_in_dim3A {offsets = [0, 0], sizes = [10000, 1], strides = [1, 1]} : vector<10112x1xf32> to vector<10000x1xf32>
    %max3A = arith.constant 1.000000e+00 : f32
    %max3A_13 = vector.broadcast %max3A : f32 to vector<10000x1xf32>
    %max3A_14 = arith.maximumf %slice3A, %max3A_13 : vector<10000x1xf32>
    %div3A = arith.constant 1.000000e+00 : f32
    %div3A_15 = vector.broadcast %div3A : f32 to vector<10000x1xf32>
    %div3A_16 = arith.divf %div3A_15, %max3A_14 : vector<10000x1xf32>
    %mul3A = vector.broadcast %div3A_16 : vector<10000x1xf32> to vector<10000x128xf32>
    %mul3A_17 = arith.mulf %add3A, %mul3A : vector<10000x128xf32>
    %get3A_18 = arith.constant 0 : index
    %get3A_19 = arith.constant 0 : index
    %get3A_20 = vector.load %arg3[%get3A_18, %get3A_19] : memref<128x128xf32, #tpu.memory_space<vmem>>, vector<128x128xf32>
    %dot_general3A = arith.constant dense<0.000000e+00> : vector<10000x128xf32>
    %dot_general3A_21 = tpu.matmul %mul3A_17, %get3A_20, %dot_general3A {dimension_numbers = #tpu.dot_dimension_numbers<[1], [0], [0], [1], [0, 0, 1, 1], [], []>, transpose_lhs_hint = false} : vector<10000x128xf32>, vector<128x128xf32>, vector<10000x128xf32> -> vector<10000x128xf32>
    %get3A_22 = arith.constant 0 : index
    %get3A_23 = arith.constant 0 : index
    %get3A_24 = vector.load %arg4[%get3A_22, %get3A_23] : memref<1x128xf32, #tpu.memory_space<vmem>>, vector<1x128xf32>
    %add3A_25 = vector.broadcast %get3A_24 : vector<1x128xf32> to vector<10000x128xf32>
    %add3A_26 = arith.addf %dot_general3A_21, %add3A_25 : vector<10000x128xf32>
    %reduce_sum3A_27 = arith.constant dense<0.000000e+00> : vector<128xf32>
    %reduce_sum3A_28 = vector.multi_reduction <add>, %add3A_26, %reduce_sum3A_27 [0] : vector<10000x128xf32> to vector<128xf32>
    %broadcast_in_dim3A_29 = vector.shape_cast %reduce_sum3A_28 : vector<128xf32> to vector<1x128xf32>
    %div3A_30 = arith.constant 1.000000e+04 : f32
    %div3A_31 = vector.broadcast %div3A_30 : f32 to vector<1x128xf32>
    %div3A_32 = arith.divf %broadcast_in_dim3A_29, %div3A_31 : vector<1x128xf32>
    %sub3A = vector.broadcast %div3A_32 : vector<1x128xf32> to vector<10000x128xf32>
    %sub3A_33 = arith.subf %add3A_26, %sub3A : vector<10000x128xf32>
    %mul3A_34 = arith.mulf %sub3A_33, %sub3A_33 : vector<10000x128xf32>
    %reduce_sum3A_35 = arith.constant dense<0.000000e+00> : vector<128xf32>
    %reduce_sum3A_36 = vector.multi_reduction <add>, %mul3A_34, %reduce_sum3A_35 [0] : vector<10000x128xf32> to vector<128xf32>
    %broadcast_in_dim3A_37 = vector.shape_cast %reduce_sum3A_36 : vector<128xf32> to vector<1x128xf32>
    %div3A_38 = arith.constant 1.000000e+04 : f32
    %div3A_39 = vector.broadcast %div3A_38 : f32 to vector<1x128xf32>
    %div3A_40 = arith.divf %broadcast_in_dim3A_37, %div3A_39 : vector<1x128xf32>
    %get3A_41 = arith.constant 0 : index
    %get3A_42 = arith.constant 0 : index
    %get3A_43 = vector.load %arg5[%get3A_41, %get3A_42] : memref<1x128xf32, #tpu.memory_space<vmem>>, vector<1x128xf32>
    %mul3A_44 = vector.broadcast %get3A_43 : vector<1x128xf32> to vector<10000x128xf32>
    %mul3A_45 = arith.mulf %mul3A_44, %sub3A_33 : vector<10000x128xf32>
    %add3A_46 = arith.constant 9.99999974E-6 : f32
    %add3A_47 = vector.broadcast %add3A_46 : f32 to vector<1x128xf32>
    %add3A_48 = arith.addf %div3A_40, %add3A_47 : vector<1x128xf32>
    %sqrt3A = math.sqrt %add3A_48 : vector<1x128xf32>
    %div3A_49 = vector.broadcast %sqrt3A : vector<1x128xf32> to vector<10000x128xf32>
    %div3A_50 = arith.divf %mul3A_45, %div3A_49 : vector<10000x128xf32>
    %get3A_51 = arith.constant 0 : index
    %get3A_52 = arith.constant 0 : index
    %get3A_53 = vector.load %arg6[%get3A_51, %get3A_52] : memref<1x128xf32, #tpu.memory_space<vmem>>, vector<1x128xf32>
    %add3A_54 = vector.broadcast %get3A_53 : vector<1x128xf32> to vector<10000x128xf32>
    %add3A_55 = arith.addf %div3A_50, %add3A_54 : vector<10000x128xf32>
    %max3A_56 = arith.constant 0.000000e+00 : f32
    %max3A_57 = vector.broadcast %max3A_56 : f32 to vector<10000x128xf32>
    %max3A_58 = arith.maximumf %add3A_55, %max3A_57 : vector<10000x128xf32>
    %iota3A = tpu.iota {dimensions = array<i32: 0>} : vector<100x10000xi32>
    %get3A_59 = arith.constant 0 : index
    %get3A_60 = arith.constant 0 : index
    %get3A_61 = vector.load %arg2[%get3A_59, %get3A_60] : memref<1x10000xi32, #tpu.memory_space<vmem>>, vector<1x10000xi32>
    %eq3A = vector.broadcast %get3A_61 : vector<1x10000xi32> to vector<100x10000xi32>
    %eq3A_62 = arith.cmpi eq, %iota3A, %eq3A : vector<100x10000xi32>
    %jit3A = arith.constant 0.00999999977 : f32
    %jit3A_63 = arith.constant 0.000000e+00 : f32
    %broadcast_in_dim3A_64 = vector.broadcast %jit3A : f32 to vector<100x10000xf32>
    %broadcast_in_dim3A_65 = vector.broadcast %jit3A_63 : f32 to vector<100x10000xf32>
    %select_n3A = arith.select %eq3A_62, %broadcast_in_dim3A_64, %broadcast_in_dim3A_65 : vector<100x10000xi1>, vector<100x10000xf32>
    %dot_general3A_66 = arith.constant dense<0.000000e+00> : vector<100x128xf32>
    %dot_general3A_67 = tpu.matmul %select_n3A, %max3A_58, %dot_general3A_66 {dimension_numbers = #tpu.dot_dimension_numbers<[1], [0], [0], [1], [0, 0, 1, 1], [], []>, transpose_lhs_hint = false} : vector<100x10000xf32>, vector<10000x128xf32>, vector<100x128xf32> -> vector<100x128xf32>
    %max3A_68 = arith.constant 0.000000e+00 : f32
    %max3A_69 = vector.broadcast %max3A_68 : f32 to vector<100x128xf32>
    %max3A_70 = arith.maximumf %dot_general3A_67, %max3A_69 : vector<100x128xf32>
    %get3A_71 = arith.constant 0 : index
    %get3A_72 = arith.constant 0 : index
    %get3A_73 = vector.load %arg7[%get3A_71, %get3A_72] : memref<128x64xf32, #tpu.memory_space<vmem>>, vector<128x64xf32>
    %dot_general3A_74 = arith.constant dense<0.000000e+00> : vector<100x64xf32>
    %dot_general3A_75 = tpu.matmul %max3A_70, %get3A_73, %dot_general3A_74 {dimension_numbers = #tpu.dot_dimension_numbers<[1], [0], [0], [1], [0, 0, 1, 1], [], []>, transpose_lhs_hint = false} : vector<100x128xf32>, vector<128x64xf32>, vector<100x64xf32> -> vector<100x64xf32>
    %get3A_76 = arith.constant 0 : index
    %get3A_77 = arith.constant 0 : index
    %get3A_78 = vector.load %arg8[%get3A_76, %get3A_77] : memref<1x64xf32, #tpu.memory_space<vmem>>, vector<1x64xf32>
    %add3A_79 = vector.broadcast %get3A_78 : vector<1x64xf32> to vector<100x64xf32>
    %add3A_80 = arith.addf %dot_general3A_75, %add3A_79 : vector<100x64xf32>
    %get3A_81 = arith.constant 0 : index
    %get3A_82 = arith.constant 0 : index
    %get3A_83 = vector.load %arg9[%get3A_81, %get3A_82] : memref<64x64xf32, #tpu.memory_space<vmem>>, vector<64x64xf32>
    %dot_general3A_84 = arith.constant dense<0.000000e+00> : vector<100x64xf32>
    %dot_general3A_85 = tpu.matmul %add3A_80, %get3A_83, %dot_general3A_84 {dimension_numbers = #tpu.dot_dimension_numbers<[1], [0], [0], [1], [0, 0, 1, 1], [], []>, transpose_lhs_hint = false} : vector<100x64xf32>, vector<64x64xf32>, vector<100x64xf32> -> vector<100x64xf32>
    %get3A_86 = arith.constant 0 : index
    %get3A_87 = arith.constant 0 : index
    %get3A_88 = vector.load %arg10[%get3A_86, %get3A_87] : memref<1x64xf32, #tpu.memory_space<vmem>>, vector<1x64xf32>
    %add3A_89 = vector.broadcast %get3A_88 : vector<1x64xf32> to vector<100x64xf32>
    %add3A_90 = arith.addf %dot_general3A_85, %add3A_89 : vector<100x64xf32>
    %max3A_91 = arith.constant 0.000000e+00 : f32
    %max3A_92 = vector.broadcast %max3A_91 : f32 to vector<100x64xf32>
    %max3A_93 = arith.maximumf %add3A_90, %max3A_92 : vector<100x64xf32>
    %get3A_94 = arith.constant 0 : index
    %get3A_95 = arith.constant 0 : index
    %get3A_96 = vector.load %arg11[%get3A_94, %get3A_95] : memref<64x64xf32, #tpu.memory_space<vmem>>, vector<64x64xf32>
    %dot_general3A_97 = arith.constant dense<0.000000e+00> : vector<100x64xf32>
    %dot_general3A_98 = tpu.matmul %max3A_93, %get3A_96, %dot_general3A_97 {dimension_numbers = #tpu.dot_dimension_numbers<[1], [0], [0], [1], [0, 0, 1, 1], [], []>, transpose_lhs_hint = false} : vector<100x64xf32>, vector<64x64xf32>, vector<100x64xf32> -> vector<100x64xf32>
    %get3A_99 = arith.constant 0 : index
    %get3A_100 = arith.constant 0 : index
    %get3A_101 = vector.load %arg12[%get3A_99, %get3A_100] : memref<1x64xf32, #tpu.memory_space<vmem>>, vector<1x64xf32>
    %add3A_102 = vector.broadcast %get3A_101 : vector<1x64xf32> to vector<100x64xf32>
    %add3A_103 = arith.addf %dot_general3A_98, %add3A_102 : vector<100x64xf32>
    %max3A_104 = arith.constant 0.000000e+00 : f32
    %max3A_105 = vector.broadcast %max3A_104 : f32 to vector<100x64xf32>
    %max3A_106 = arith.maximumf %add3A_103, %max3A_105 : vector<100x64xf32>
    %get3A_107 = arith.constant 0 : index
    %get3A_108 = arith.constant 0 : index
    %get3A_109 = vector.load %arg13[%get3A_107, %get3A_108] : memref<64x64xf32, #tpu.memory_space<vmem>>, vector<64x64xf32>
    %dot_general3A_110 = arith.constant dense<0.000000e+00> : vector<100x64xf32>
    %dot_general3A_111 = tpu.matmul %max3A_106, %get3A_109, %dot_general3A_110 {dimension_numbers = #tpu.dot_dimension_numbers<[1], [0], [0], [1], [0, 0, 1, 1], [], []>, transpose_lhs_hint = false} : vector<100x64xf32>, vector<64x64xf32>, vector<100x64xf32> -> vector<100x64xf32>
    %get3A_112 = arith.constant 0 : index
    %get3A_113 = arith.constant 0 : index
    %get3A_114 = vector.load %arg14[%get3A_112, %get3A_113] : memref<1x64xf32, #tpu.memory_space<vmem>>, vector<1x64xf32>
    %add3A_115 = vector.broadcast %get3A_114 : vector<1x64xf32> to vector<100x64xf32>
    %add3A_116 = arith.addf %dot_general3A_111, %add3A_115 : vector<100x64xf32>
    %max3A_117 = arith.constant 0.000000e+00 : f32
    %max3A_118 = vector.broadcast %max3A_117 : f32 to vector<100x64xf32>
    %max3A_119 = arith.maximumf %add3A_116, %max3A_118 : vector<100x64xf32>
    %get3A_120 = arith.constant 0 : index
    %get3A_121 = arith.constant 0 : index
    %get3A_122 = vector.load %arg15[%get3A_120, %get3A_121] : memref<64x10xf32, #tpu.memory_space<vmem>>, vector<64x10xf32>
    %dot_general3A_123 = arith.constant dense<0.000000e+00> : vector<100x10xf32>
    %dot_general3A_124 = tpu.matmul %max3A_119, %get3A_122, %dot_general3A_123 {dimension_numbers = #tpu.dot_dimension_numbers<[1], [0], [0], [1], [0, 0, 1, 1], [], []>, transpose_lhs_hint = false} : vector<100x64xf32>, vector<64x10xf32>, vector<100x10xf32> -> vector<100x10xf32>
    %get3A_125 = arith.constant 0 : index
    %get3A_126 = arith.constant 0 : index
    %get3A_127 = vector.load %arg16[%get3A_125, %get3A_126] : memref<1x10xf32, #tpu.memory_space<vmem>>, vector<1x10xf32>
    %add3A_128 = vector.broadcast %get3A_127 : vector<1x10xf32> to vector<100x10xf32>
    %add3A_129 = arith.addf %dot_general3A_124, %add3A_128 : vector<100x10xf32>
    %swap3A = arith.constant 0 : index
    %swap3A_130 = arith.constant 0 : index
    %swap3A_131 = vector.load %arg17[%swap3A, %swap3A_130] : memref<100x10xf32, #tpu.memory_space<vmem>>, vector<100x10xf32>
    tpu.vector_store %arg17[%swap3A, %swap3A_130], %add3A_129 {strides = array<i32>} : memref<100x10xf32, #tpu.memory_space<vmem>>, vector<100x10xf32>,
    return
  }
}

</mosaic_0001>

<sc_bundles>
// kernel: kernel.6.cloned.1.call-start
scs
__scs_entry_jumppad:
0x0: {  	(pc) =	sbr.rel $0x88, $3  }
0x1: {  	(tag) =	ssettag $0x0;
	lr =	simm.s32 $0x1  }
0x2: {  	[smem:$0x3F8C] =	sst lr;
	_ =	strace $0xD0000000  }
0x3: {  	_ = 	snop  }
0x4: {  	_ = 	snop  }
0x5: {  	_ = 	snop  }
0x6: {  	_ = 	snop  }
0x7: {  	_ = 	snop  }
__scs_overlays_trampoline_lowered:
0x8: {  	[smem:$0x3F9B] =	sst s0  }
0x9: {  	[smem:$0x3F9C] =	sst s1  }
0xa: {  	[smem:$0x3F9D] =	sst s2  }
0xb: {  	[smem:$0x3F9E] =	sst s3  }
0xc: {  	[smem:$0x3F9F] =	sst s4  }
0xd: {  	[smem:$0x3FA0] =	sst s5  }
0xe: {  	[smem:$0x3FA1] =	sst s6  }
0xf: {  	[smem:$0x3FA2] =	sst s7  }
0x10: {  	[smem:$0x3FA3] =	sst s8  }
0x11: {  	[smem:$0x3FA4] =	sst s9;
	s0 =	simm.s32 @!p0 $0x0  }
0x12: {  	s1 =	sld [smem:$0x3F8A];
	s0 =	simm.s32 @p0 $0x1  }
0x13: {  	[smem:$0x3FA5] =	sst s0;
	s0 =	simm.s32 @!p1 $0x0  }
0x14: {  	s2 =	sld [smem:$0x3F89];
	s0 =	simm.s32 @p1 $0x1  }
0x15: {  	[smem:$0x3FA6] =	sst s0;
	s0 =	simm.s32 @!p2 $0x0  }
0x16: {  	s3 =	sld [smem:$0x3FDB];
	s0 =	simm.s32 @p2 $0x1  }
0x17: {  	s4 =	simm.s32 $0x1BF5;
	[smem:$0x3FA8] =	sst s0  }
0x18: {  	s0 =	sld [smem:$0x3F8B];
	_ =	swait.ge [sflag:s4], $0x0  }
0x19: {  	s7 =	sld [smem:$0x3F8C]  }
0x1a: {  	s8 =	sadd.s32 $0xFFFFE003, lr  }
0x1b: {  	s9 =	sadd.s32 $0xFFFFFEF7, lr;
	s5 =	simm.s32 $0xFFFFFFFF;
	p2 =	slt.u32 s8, $0xFFFFF086  }
0x1c: {  	p1 =	slt.u32 s9, $0xF7A;
	s5 =	simm.s32 @!p2 $0x0  }
0x1d: {  	s5 =	simm.s32 @p1 $0x1;
	p0 =	seq.s32 s7, s2  }
0x1e: {  	s7 =	smul.u32 @!p0 $0xF7A, s2;
	p2 =	seq.s32 @!p0 s5, $0x0  }
0x1f: {  	s9 =	smul.u32 $0xF7A, s1;
	s8 =	simm.s32 @!p0 $0x1BF5;
	p2 =	por !p2, p0  }
0x20: {  	[sflag:s8] =	ssyncset.s32 @!p0 $0xFFFFF086;
	s6 =	sadd.s32 @!p0 s3, s7;
	s7 =	simm.s32 @!p0 $0x108  }
0x21: {  	s3 =	sadd.s32 s3, s9;
	s6 =	sadd.s32 @!p0 $0x88, s6;
	s7 =	simm.s32 @p2 $0x1082  }
0x22: {  	[simem:s7], [sflag:s8] =	dma.local @!p0 [hbm:s6], $0xF7A  }
0x23: {  	s9 =	sor.u32 $0xD0000000, s2;
	s6 =	simm.s32 $0x108;
	_ =	swait.ge @!p0 [sflag:s8], $0x0  }
0x24: {  	s3 =	sadd.s32 $0x88, s3;
	s6 =	simm.s32 @!p1 $0x1082;
	[sflag:s4] =	ssyncset.s32 $0xFFFFF086  }
0x25: {  	[simem:s6], [sflag:s4] =	dma.local [hbm:s3], $0xF7A  }
0x26: {  	[smem:$0x3F8C] =	sst s1;
	(tag) =	ssettag s2;
	_ =	strace s9  }
0x27: {  	s1 =	sld [smem:$0x3F9C]  }
0x28: {  	s2 =	sld [smem:$0x3F9D]  }
0x29: {  	s4 =	sld [smem:$0x3F9F]  }
0x2a: {  	p0 =	seq.s32 s5, $0x0;
	s5 =	sld [smem:$0x3FA0]  }
0x2b: {  	s6 =	sld [smem:$0x3FA1]  }
0x2c: {  	s7 =	sld [smem:$0x3FA2]  }
0x2d: {  	s3 =	simm.s32 $0x108;
	s8 =	sld [smem:$0x3FA3]  }
0x2e: {  	s3 =	simm.s32 @!p0 $0x1082;
	s9 =	sld [smem:$0x3FA4]  }
0x2f: {  	lr =	sadd.s32 s0, s3;
	s0 =	sld [smem:$0x3F9B]  }
0x30: {  	s3 =	sld [smem:$0x3F9E]  }
0x31: {  	[smem:$0x3FA7] =	sst s10  }
0x32: {  	s10 =	sld [smem:$0x3FA5];
	_ =	sdelay $0x3  }
0x33: {  	p0 =	seq.s32 s10, $0x1;
	s10 =	sld [smem:$0x3FA7];
	_ =	sdelay $0x3  }
0x34: {  	[smem:$0x3FA7] =	sst s10  }
0x35: {  	s10 =	sld [smem:$0x3FA6];
	_ =	sdelay $0x3  }
0x36: {  	p1 =	seq.s32 s10, $0x1;
	s10 =	sld [smem:$0x3FA7];
	_ =	sdelay $0x3  }
0x37: {  	[smem:$0x3FA7] =	sst s10  }
0x38: {  	s10 =	sld [smem:$0x3FA8]  }
0x39: {  	_ = 	snop;
	(pc) =	sbr.ind lr, $3  }
0x3a: {  	_ = 	snop  }
0x3b: {  	_ = 	snop  }
0x3c: {  	p2 =	seq.s32 s10, $0x1;
	s10 =	sld [smem:$0x3FA7]  }
0x3d: {  	_ =	shalt  }
0x3e: {  	_ =	shalt  }
0x3f: {  	_ =	shalt  }
0x40: {  	_ =	shalt  }
0x41: {  	_ =	shalt  }
0x42: {  	_ =	shalt  }
0x43: {  	_ =	shalt  }
0x44: {  	_ =	shalt  }
0x45: {  	_ =	shalt  }
0x46: {  	_ =	shalt  }
0x47: {  	_ =	shalt  }
0x48: {  	_ =	shalt  }
0x49: {  	_ =	shalt  }
0x4a: {  	_ =	shalt  }
0x4b: {  	_ =	shalt  }
0x4c: {  	_ =	shalt  }
0x4d: {  	_ =	shalt  }
0x4e: {  	_ =	shalt  }
0x4f: {  	_ =	shalt  }
0x50: {  	_ =	shalt  }
0x51: {  	_ =	shalt  }
0x52: {  	_ =	shalt  }
0x53: {  	_ =	shalt  }
0x54: {  	_ =	shalt  }
0x55: {  	_ =	shalt  }
0x56: {  	_ =	shalt  }
0x57: {  	_ =	shalt  }
0x58: {  	_ =	shalt  }
0x59: {  	_ =	shalt  }
0x5a: {  	_ =	shalt  }
0x5b: {  	_ =	shalt  }
0x5c: {  	_ =	shalt  }
0x5d: {  	_ =	shalt  }
0x5e: {  	_ =	shalt  }
0x5f: {  	_ =	shalt  }
0x60: {  	_ =	shalt  }
0x61: {  	_ =	shalt  }
0x62: {  	_ =	shalt  }
0x63: {  	_ =	shalt  }
0x64: {  	_ =	shalt  }
0x65: {  	_ =	shalt  }
0x66: {  	_ =	shalt  }
0x67: {  	_ =	shalt  }
0x68: {  	_ =	shalt  }
0x69: {  	_ =	shalt  }
0x6a: {  	_ =	shalt  }
0x6b: {  	_ =	shalt  }
0x6c: {  	_ =	shalt  }
0x6d: {  	_ =	shalt  }
0x6e: {  	_ =	shalt  }
0x6f: {  	_ =	shalt  }
0x70: {  	_ =	shalt  }
0x71: {  	_ =	shalt  }
0x72: {  	_ =	shalt  }
0x73: {  	_ =	shalt  }
0x74: {  	_ =	shalt  }
0x75: {  	_ =	shalt  }
0x76: {  	_ =	shalt  }
0x77: {  	_ =	shalt  }
0x78: {  	_ =	shalt  }
0x79: {  	_ =	shalt  }
0x7a: {  	_ =	shalt  }
0x7b: {  	_ =	shalt  }
0x7c: {  	_ =	shalt  }
0x7d: {  	_ =	shalt  }
0x7e: {  	_ =	shalt  }
0x7f: {  	_ =	shalt  }
0x80: {  	_ =	shalt  }
0x81: {  	_ =	shalt  }
0x82: {  	_ =	shalt  }
0x83: {  	_ =	shalt  }
0x84: {  	_ =	shalt  }
0x85: {  	_ =	shalt  }
0x86: {  	_ =	shalt  }
0x87: {  	_ =	shalt  }
.Lfunc_end0:
.L_simem_size_0:
called_computation_lowered:
.L_overlay_start_0:
0x88: {  	s2 =	sld [smem:$0x3FD9]  }
0x89: {  	s3 =	sld [smem:$0x3FFE];
	_ =	sdelay $0x1  }
0x8a: {  	s1 =	srdreg.scid  }
0x8b: {  	s0 =	sand.u32 $0x1, s1  }
0x8c: {  	s17 =	sshll.u32 s0, $0xA;
	s2 =	sadd.s32 s3, s2  }
0x8d: {  	s2 =	sadd.s32 s2, s17  }
0x8e: {  	[smem:$0x3FB3] =	sst s2  }
0x8f: {  	_ = 	snop  }
0x90: {  	s2 =	sld [smem:$0x3FC9];
	(tm) =	ssettm $0x1  }
0x91: {  	s18 =	sld [smem:$0x3FFB];
	_ =	sdelay $0x3  }
0x92: {  	_ =	strace s18  }
0x93: {  	s3 =	sld [smem:$0x3FFC];
	_ =	sdelay $0x3  }
0x94: {  	_ =	strace s3  }
0x95: {  	s3 =	sld [smem:$0x3FFD];
	_ =	sdelay $0x3  }
0x96: {  	_ =	strace s3  }
0x97: {  	_ =	strace $0x8FFFFFFF  }
0x98: {  	s19 =	sld [smem:$0x3FDB];
	_ =	sdelay $0x1  }
0x99: {  	s4 =	simm.s32 $_scs_section_size  }
0x9a: {  	s5 =	simm.s32 $_size__tile_overlayer_lowered;
	s6 =	simm.s32 $_tile_overlayer_lowered  }
0x9b: {  	s22 =	simm.s32 $0x1BFF;
	s21 =	sshll.u32 s6, $0x1;
	s3 =	sadd.s32 s4, s19  }
0x9c: {  	s7 =	simm.s32 $0x0;
	s20 =	sshll.u32 s5, $0x1;
	s5 =	sadd.s32 s21, s3  }
0x9d: {  	[timem:s7], [sflag:s22] =	dma.local [hbm:s5], s20  }
0x9e: {  	_ =	swait.ge [sflag:s22], s20  }
0x9f: {  	s4 =	ssub.s32 $0x0, s20;
	[sflag:s22] =	ssyncset.done $0x0  }
0xa0: {  	[sflag:s22] =	ssyncadd.s32 s4;
	_ =	sdelay $0x1  }
0xa1: {  	s23 =	simm.s32 $0x1B8B  }
0xa2: {  	_ =	swait.ge [sflag:s23], $0x1  }
0xa3: {  	[sflag:s23] =	ssyncset.done $0x0  }
0xa4: {  	s25 =	simm.s32 $0x1B8E;
	s24 =	sld [smem:$0x3FFE];
	[sflag:s23] =	ssyncadd.s32 $0xFFFFFFFF  }
0xa5: {  	s26 =	simm.s32 $execute0_lowered;
	[smem:$0x3FD2] =	sst s25  }
0xa6: {  	s5 =	sshll.u32 s26, $0x1;
	_ =	strace $0x80000046;
	[dreg:$0x1] =	wrdreg $0xFFFFFFFF  }
0xa7: {  	s28 =	simm.s32 $_size_execute0_lowered;
	s3 =	sadd.s32 s3, s5;
	[dreg:$0x0] =	wrdreg $0x0  }
0xa8: {  	s5 =	sshll.u32 s28, $0x1;
	[dreg:$0x2] =	wrdreg s3  }
0xa9: {  	[dreg:$0x3] =	wrdreg s5  }
0xaa: {  	[dreg:$0x4] =	wrdreg $0xC0  }
0xab: {  	_ =	task [dreg:s7], $0x5FFFF  }
0xac: {  	[dreg:$0x1] =	wrdreg $0xFFFFFFFF  }
0xad: {  	[dreg:$0x0] =	wrdreg $0x60  }
0xae: {  	[dreg:$0x2] =	wrdreg s2  }
0xaf: {  	[dreg:$0x3] =	wrdreg s24  }
0xb0: {  	[dreg:$0x4] =	wrdreg $0x0  }
0xb1: {  	[dreg:$0x5] =	wrdreg $0x9  }
0xb2: {  	_ =	task.clear_ibuf [dreg:s7], $0x6FFFF;
	_ =	strace $0x90000046  }
0xb3: {  	s29 =	simm.s32 $0x9;
	_ =	strace $0x80000048  }
0xb4: {  	_ =	swait.ge [sflag:s29], $0x1  }
0xb5: {  	[sflag:s29] =	ssyncadd.s32 $0xFFFFFFFF  }
0xb6: {  	_ =	strace $0x90000048  }
0xb7: {  	_ =	sfence  }
0xb8: {  	s30 =	sld [smem:$0x0];
	_ =	sdelay $0x2  }
0xb9: {  	s31 =	sshll.u32 s1, $0xD;
	s1 =	sshrl.u32 s1, $0x2  }
0xba: {  	s3 =	sand.u32 $0x4000, s31;
	s1 =	sadd.s32 s1, s30  }
0xbb: {  	s0 =	sor.u32 s3, s0;
	s1 =	sshll.u32 s1, $0x11  }
0xbc: {  	s0 =	sor.u32 s1, s0  }
0xbd: {  	s0 =	sadd.s32 $0x8F2B, s0  }
0xbe: {  	[sflag:s0] =	ssyncadd.remote.s32 $0x1  }
0xbf: {  	_ =	sfence.sel $0xFFFF  }
0xc0: {  	[dreg:$0x0] =	wrdreg $0xFFFFFFFF;
	(pc) =	sbr.abs _section_cstart, $3  }
0xc1: {  	[dreg:$0x1] =	wrdreg $0xFFFFFFFF  }
0xc2: {  	_ =	task.clear_ibuf [dreg:s7], $0x2FFFF;
	_ =	strace $0x9FFFFFFF  }
0xc3: {  	(tm) =	ssettm $0x7FFFFFFF  }
tec
execute0_lowered:
.L_overlay_start_1:
0x0: {  	(tag) =	ssettag $0x1  }
0x1: {  	s1 =	rddreg [dreg:$0x0]  }
0x2: {  	s0 =	rddreg [dreg:$0x1]  }
0x3: {  	s3 =	rddreg [dreg:$0x2];
	s4 =	simm.s32 $0x0;
	s15 =	stileid.u32  }
0x4: {  	s2 =	srdreg.scid;
	s28 =	simm.s32 $0x18C00;
	s29 =	simm.s32 $0x1B480  }
0x5: {  	s30 =	simm.s32 $0x1;
	s31 =	simm.s32 $0x3;
	s6 =	smul.u32 $0x2780, s15  }
0x6: {  	[smem:$0x7FF] =	sst s4;
	s2 =	sand.u32 $0x1, s2;
	s19 =	smul.u32 $0x2620, s15  }
0x7: {  	s9 =	sadd.s32 $0xD200, s0;
	s5 =	sadd.s32 $0x3400, s0;
	s12 =	smul.u32 $0x2800, s15  }
0x8: {  	s18 =	sadd.s32 $0x3E800, s0;
	s20 =	smul.u32 $0x4F000, s15;
	s26 =	sshll.u32 s15, $0x6  }
0x9: {  	_ =	strace $0x80000047;
	s7 =	smul.u32 $0x27800, s2;
	s8 =	sshll.u32 s2, $0x4  }
0xa: {  	[dreg:$0x4] =	wrdreg s18;
	s10 =	ssub.s32 $0x2, s2;
	p0 =	seq.s32 s2, $0x0  }
0xb: {  	s18 =	sor.u32 $0x1C06, s26;
	s26 =	simm.s32 $0x0;
	s8 =	sor.u32 s15, s8  }
0xc: {  	s11 =	sadd.s32 s6, s0;
	s13 =	sshrl.u32 s10, $0x1;
	s22 =	sshrl.u32 s20, $0x2  }
0xd: {  	s20 =	simm.s32 $0x6;
	s6 =	sadd.s32 s6, s7;
	s17 =	smul.u32 $0x4F0, s8  }
0xe: {  	s7 =	simm.s32 $0x80;
	s8 =	sadd.s32 $0x28000, s19;
	s13 =	ssub.s32 s10, s13  }
0xf: {  	s23 =	sadd.s32 $0x17000, s11;
	s6 =	sadd.s32 s6, s0;
	s7 =	simm.s32 @!p0 $0x7A  }
0x10: {  	s14 =	sshrl.u32 s8, $0x3;
	s8 =	smov.u32 @p0 s12;
	s12 =	sshrl.u32 s12, $0x3  }
0x11: {  	[dreg:$0x7] =	wrdreg s23;
	s16 =	smax.u32 s13, $0x1;
	p0 =	sne.s32 s2, $0x0  }
0x12: {  	s2 =	simm.s32 $0x2;
	s23 =	simm.s32 $0x4;
	s0 =	sadd.s32 s17, s0  }
0x13: {  	s14 =	sadd.s32 s9, s14;
	s21 =	sshrl.u32 s8, $0x3;
	s9 =	sadd.s32 s9, s12  }
0x14: {  	s17 =	sadd.s32 s22, s3;
	s11 =	sshrl.u32 s7, $0x1;
	[dreg:$0x5] =	wrdreg s14  }
0x15: {  	s25 =	sadd.s32 $0x48C00, s6;
	s22 =	simm.s32 $0x50;
	[dreg:$0x6] =	wrdreg s9  }
0x16: {  	s10 =	sadd.s32 s5, s21;
	s0 =	sadd.s32 $0x3EE00, s0;
	[dreg:$0xa] =	wrdreg s25  }
0x17: {  	s9 =	sadd.s32 $0xA0, s8;
	s19 =	sshrl.u32 s17, $0x3;
	s21 =	simm.s32 $0x1B500  }
0x18: {  	s25 =	simm.s32 $0x1B400;
	s24 =	sadd.s32 $0xA, s10;
	[dreg:$0x9] =	wrdreg s0  }
0x19: {  	s0 =	simm.s32 $0x5;
	[dreg:$0x8] =	wrdreg s24;
	s24 =	simm.s32 $0x16400  }
.LBB2_1:
0x1a: {  	s6 =	simm.s32 @p0 $0x0;
	s8 =	simm.s32 @p0 $0x13C00;
	s12 =	rddreg [dreg:$0x5]  }
0x1b: {  	[tilespmem:s8], [sflag:$0x6] =	stream.linear.gather @p0 [hbm4b:s12+s6], $0x2620, $0x38;
	[tilespmem:$0x1DC80] =	vst v63  }
0x1c: {  	s6 =	simm.s32 @p0 $0x6  }
0x1d: {  	_ =	swait.ge @p0 [sflag:s6], $0x2620  }
0x1e: {  	s8 =	simm.s32 @!p0 $0x13C00;
	[sflag:s6] =	ssyncset.done @p0 $0x0  }
0x1f: {  	s12 =	rddreg [dreg:$0x6];
	[sflag:s6] =	ssyncadd.s32 @p0 $0xFFFFD9E0;
	s6 =	simm.s32 @!p0 $0x0  }
0x20: {  	[tilespmem:s8], [sflag:$0x6] =	stream.linear.gather @!p0 [hbm4b:s12+s6], $0x2800, $0x38;
	[tilespmem:$0x1DC80] =	vst v63  }
0x21: {  	s6 =	simm.s32 @!p0 $0x6  }
0x22: {  	_ =	swait.ge @!p0 [sflag:s6], $0x2800  }
0x23: {  	[sflag:s6] =	ssyncset.done @!p0 $0x0  }
0x24: {  	s12 =	rddreg [dreg:$0x7];
	[sflag:s6] =	ssyncadd.s32 @!p0 $0xFFFFD800  }
0x25: {  	[spmem:s19], [sflag:s18] =	dma.local [hbm:s12], $0x2780  }
0x26: {  	_ =	swait.ge [sflag:s20], $0x2780  }
0x27: {  	[sflag:s20] =	ssyncset.done $0x0  }
0x28: {  	s13 =	rddreg [dreg:$0x4];
	[sflag:s20] =	ssyncadd.s32 $0xFFFFD880  }
0x29: {  	[tilespmem:s21], [sflag:$0x6] =	stream.linear.gather [hbm4b:s13+s4], $0x2780, $0x38;
	[tilespmem:$0x1DC80] =	vst v63  }
0x2a: {  	_ =	swait.ge [sflag:s20], $0x2780  }
0x2b: {  	[sflag:s20] =	ssyncset.done $0x0  }
0x2c: {  	[sflag:s20] =	ssyncadd.s32 $0xFFFFD880  }
0x2d: {  	s14 =	simm.s32 $0x13C00;
	[bflag:$0x0] =	sbarrier.arrive $0xFFFF  }
0x2e: {  	[tilespmem:s24], [sflag:$0x1] =	stream.indirect.gather [hbm4b:s1+s22], $0x80, s14, s22, $0xb8;
	[tilespmem:$0x1DC80] =	vst v63  }
0x2f: {  	_ = 	snop  }
0x30: {  	[tilespmem:s25], [sflag:$0x3] =	stream.linear.gather [hbm4b:s10+s4], $0x50, $0x38;
	[tilespmem:$0x1DC80] =	vst v63  }
0x31: {  	s15 =	simm.s32 $0x13C50  }
0x32: {  	[tilespmem:s28], [sflag:$0x2] =	stream.indirect.gather [hbm4b:s1+s22], $0x80, s15, s22, $0xb8;
	[tilespmem:$0x1DC80] =	vst v63  }
0x33: {  	s8 =	simm.s32 $0x2;
	s17 =	rddreg [dreg:$0x8]  }
0x34: {  	[tilespmem:s29], [sflag:$0x4] =	stream.linear.gather [hbm4b:s17+s4], $0x50, $0x38;
	[tilespmem:$0x1DC80] =	vst v63  }
0x35: {  	s6 =	simm.s32 $0x13CA0;
	s13 =	smov.u32 s11;
	s17 =	smov.u32 s9  }
.LBB2_2:
0x36: {  	_ =	swait.ge [sflag:s30], $0x2800  }
0x37: {  	[sflag:s30] =	ssyncset.done $0x0  }
0x38: {  	[sflag:s30] =	ssyncadd.s32 $0xFFFFD800  }
0x39: {  	_ =	swait.ge [sflag:s31], $0x50  }
0x3a: {  	[sflag:s31] =	ssyncset.done $0x0  }
0x3b: {  	[sflag:s31] =	ssyncadd.s32 $0xFFFFFFB0  }
0x3c: {  	[spmem:s3] =	stream.indirect.scatter.add.f32 [tilespmem:s24], [sflag:$0x5], $0x80, s25, s22, $0xb8;
	[tilespmem:$0x1DC80] =	vst v63  }
0x3d: {  	v0 =	vld [tilespmem:$0x1B400];
	_ =	sdelay $0x4  }
0x3e: {  	(xrf1) =	vunique.msk.u32 $0xffff, v0;
	_ =	sdelay $0xc  }
0x3f: {  	v1 =	vld.idx.msk [tilespmem:v0+s21+$0x0], $0xffff  }
0x40: {  	_, v2, vm0 =	vpop (xrf1);
	_ =	sdelay $0x1  }
0x41: {  	v2 =	vcvt.s32.f32 v2;
	_ =	sdelay $0x1  }
0x42: {  	v1 =	vadd.f32 v2, v1;
	_ =	sdelay $0x1  }
0x43: {  	[tilespmem:v0+s21+$0x0] =	vst.idx.msk vm0, v1  }
0x44: {  	v0 =	vld [tilespmem:$0x1B410];
	_ =	sdelay $0x4  }
0x45: {  	(xrf1) =	vunique.msk.u32 $0xffff, v0;
	_ =	sdelay $0xc  }
0x46: {  	v1 =	vld.idx.msk [tilespmem:v0+s21+$0x0], $0xffff  }
0x47: {  	_, v53, vm7 =	vpop (xrf1);
	_ =	sdelay $0x1  }
0x48: {  	v2 =	vcvt.s32.f32 v53;
	_ =	sdelay $0x1  }
0x49: {  	v1 =	vadd.f32 v2, v1;
	_ =	sdelay $0x1  }
0x4a: {  	[tilespmem:v0+s21+$0x0] =	vst.idx.msk vm7, v1  }
0x4b: {  	v0 =	vld [tilespmem:$0x1B420];
	_ =	sdelay $0x4  }
0x4c: {  	(xrf1) =	vunique.msk.u32 $0xffff, v0;
	_ =	sdelay $0xc  }
0x4d: {  	v1 =	vld.idx.msk [tilespmem:v0+s21+$0x0], $0xffff  }
0x4e: {  	_, v54, vm8 =	vpop (xrf1);
	_ =	sdelay $0x1  }
0x4f: {  	v2 =	vcvt.s32.f32 v54;
	_ =	sdelay $0x1  }
0x50: {  	v1 =	vadd.f32 v2, v1;
	_ =	sdelay $0x1  }
0x51: {  	[tilespmem:v0+s21+$0x0] =	vst.idx.msk vm8, v1  }
0x52: {  	v0 =	vld [tilespmem:$0x1B430];
	_ =	sdelay $0x4  }
0x53: {  	(xrf1) =	vunique.msk.u32 $0xffff, v0;
	_ =	sdelay $0xc  }
0x54: {  	v1 =	vld.idx.msk [tilespmem:v0+s21+$0x0], $0xffff  }
0x55: {  	_, v55, vm9 =	vpop (xrf1);
	_ =	sdelay $0x1  }
0x56: {  	v2 =	vcvt.s32.f32 v55;
	_ =	sdelay $0x1  }
0x57: {  	v1 =	vadd.f32 v2, v1;
	_ =	sdelay $0x1  }
0x58: {  	[tilespmem:v0+s21+$0x0] =	vst.idx.msk vm9, v1  }
0x59: {  	v0 =	vld [tilespmem:$0x1B440];
	_ =	sdelay $0x4  }
0x5a: {  	(xrf1) =	vunique.msk.u32 $0xffff, v0;
	_ =	sdelay $0xc  }
0x5b: {  	v1 =	vld.idx.msk [tilespmem:v0+s21+$0x0], $0xffff  }
0x5c: {  	_, v56, vm10 =	vpop (xrf1);
	_ =	sdelay $0x1  }
0x5d: {  	v2 =	vcvt.s32.f32 v56;
	_ =	sdelay $0x1  }
0x5e: {  	v1 =	vadd.f32 v2, v1;
	_ =	sdelay $0x1  }
0x5f: {  	[tilespmem:v0+s21+$0x0] =	vst.idx.msk vm10, v1  }
0x60: {  	_ =	swait.ge [sflag:s0], $0x2800  }
0x61: {  	p1 =	sge.u32 s8, s7;
	[sflag:s0] =	ssyncset.done $0x0  }
0x62: {  	s12 =	simm.s32 @!p1 $0x50;
	s14 =	simm.s32 @!p1 $0x16400;
	[sflag:s0] =	ssyncadd.s32 $0xFFFFD800  }
0x63: {  	[tilespmem:s14], [sflag:$0x1] =	stream.indirect.gather @!p1 [hbm4b:s1+s12], $0x80, s6, s12, $0xb8;
	[tilespmem:$0x1DC80] =	vst v63  }
0x64: {  	s12 =	sshrl.u32 @!p1 s17, $0x3  }
0x65: {  	s15 =	simm.s32 @!p1 $0x1B400;
	s14 =	simm.s32 @!p1 $0x0;
	s12 =	sadd.s32 @!p1 s5, s12  }
0x66: {  	[tilespmem:s15], [sflag:$0x3] =	stream.linear.gather @!p1 [hbm4b:s12+s14], $0x50, $0x38;
	[tilespmem:$0x1DC80] =	vst v63  }
0x67: {  	_ =	swait.ge [sflag:s2], $0x2800  }
0x68: {  	[sflag:s2] =	ssyncset.done $0x0  }
0x69: {  	[sflag:s2] =	ssyncadd.s32 $0xFFFFD800  }
0x6a: {  	_ =	swait.ge [sflag:s23], $0x50  }
0x6b: {  	[sflag:s23] =	ssyncset.done $0x0  }
0x6c: {  	[sflag:s23] =	ssyncadd.s32 $0xFFFFFFB0  }
0x6d: {  	[spmem:s3] =	stream.indirect.scatter.add.f32 [tilespmem:s28], [sflag:$0x5], $0x80, s29, s22, $0xb8;
	[tilespmem:$0x1DC80] =	vst v63  }
0x6e: {  	v57 =	vld [tilespmem:$0x1B480];
	_ =	sdelay $0x4  }
0x6f: {  	(xrf1) =	vunique.msk.u32 $0xffff, v57;
	_ =	sdelay $0xc  }
0x70: {  	v58 =	vld.idx.msk [tilespmem:v57+s21+$0x0], $0xffff  }
0x71: {  	_, v59, vm11 =	vpop (xrf1);
	_ =	sdelay $0x1  }
0x72: {  	v2 =	vcvt.s32.f32 v59;
	_ =	sdelay $0x1  }
0x73: {  	v1 =	vadd.f32 v2, v58;
	_ =	sdelay $0x1  }
0x74: {  	[tilespmem:v57+s21+$0x0] =	vst.idx.msk vm11, v1  }
0x75: {  	v0 =	vld [tilespmem:$0x1B490];
	_ =	sdelay $0x4  }
0x76: {  	(xrf1) =	vunique.msk.u32 $0xffff, v0;
	_ =	sdelay $0xc  }
0x77: {  	v1 =	vld.idx.msk [tilespmem:v0+s21+$0x0], $0xffff  }
0x78: {  	_, v60, vm12 =	vpop (xrf1);
	_ =	sdelay $0x1  }
0x79: {  	v2 =	vcvt.s32.f32 v60;
	_ =	sdelay $0x1  }
0x7a: {  	v1 =	vadd.f32 v2, v1;
	_ =	sdelay $0x1  }
0x7b: {  	[tilespmem:v0+s21+$0x0] =	vst.idx.msk vm12, v1  }
0x7c: {  	v0 =	vld [tilespmem:$0x1B4A0];
	_ =	sdelay $0x4  }
0x7d: {  	(xrf1) =	vunique.msk.u32 $0xffff, v0;
	_ =	sdelay $0xc  }
0x7e: {  	v1 =	vld.idx.msk [tilespmem:v0+s21+$0x0], $0xffff  }
0x7f: {  	_, v61, vm13 =	vpop (xrf1);
	_ =	sdelay $0x1  }
0x80: {  	v2 =	vcvt.s32.f32 v61;
	_ =	sdelay $0x1  }
0x81: {  	v1 =	vadd.f32 v2, v1;
	_ =	sdelay $0x1  }
0x82: {  	[tilespmem:v0+s21+$0x0] =	vst.idx.msk vm13, v1  }
0x83: {  	v0 =	vld [tilespmem:$0x1B4B0];
	_ =	sdelay $0x4  }
0x84: {  	(xrf1) =	vunique.msk.u32 $0xffff, v0;
	_ =	sdelay $0xc  }
0x85: {  	v1 =	vld.idx.msk [tilespmem:v0+s21+$0x0], $0xffff  }
0x86: {  	_, v62, vm14 =	vpop (xrf1);
	_ =	sdelay $0x1  }
0x87: {  	v2 =	vcvt.s32.f32 v62;
	_ =	sdelay $0x1  }
0x88: {  	v1 =	vadd.f32 v2, v1;
	_ =	sdelay $0x1  }
0x89: {  	[tilespmem:v0+s21+$0x0] =	vst.idx.msk vm14, v1  }
0x8a: {  	v0 =	vld [tilespmem:$0x1B4C0];
	_ =	sdelay $0x4  }
0x8b: {  	(xrf1) =	vunique.msk.u32 $0xffff, v0;
	_ =	sdelay $0xc  }
0x8c: {  	v1 =	vld.idx.msk [tilespmem:v0+s21+$0x0], $0xffff  }
0x8d: {  	_, v63, vm15 =	vpop (xrf1);
	_ =	sdelay $0x1  }
0x8e: {  	v2 =	vcvt.s32.f32 v63;
	_ =	sdelay $0x1  }
0x8f: {  	v1 =	vadd.f32 v2, v1;
	_ =	sdelay $0x1  }
0x90: {  	s15 =	sadd.s32 $0x1, s8;
	[tilespmem:v0+s21+$0x0] =	vst.idx.msk vm15, v1  }
0x91: {  	p1 =	sge.u32 s15, s7;
	_ =	swait.ge [sflag:s0], $0x2800  }
0x92: {  	s12 =	sadd.s32 @!p1 $0x50, s6;
	[sflag:s0] =	ssyncset.done $0x0  }
0x93: {  	s14 =	simm.s32 @!p1 $0x50;
	s15 =	simm.s32 @!p1 $0x18C00;
	[sflag:s0] =	ssyncadd.s32 $0xFFFFD800  }
0x94: {  	[tilespmem:s15], [sflag:$0x2] =	stream.indirect.gather @!p1 [hbm4b:s1+s14], $0x80, s12, s14, $0xb8;
	[tilespmem:$0x1DC80] =	vst v63  }
0x95: {  	s12 =	sadd.s32 @!p1 $0x50, s17  }
0x96: {  	s13 =	sadd.s32 $0xFFFFFFFF, s13;
	s12 =	sshrl.u32 @!p1 s12, $0x3  }
0x97: {  	s14 =	simm.s32 @!p1 $0x0;
	s15 =	simm.s32 @!p1 $0x1B480;
	s12 =	sadd.s32 @!p1 s5, s12  }
0x98: {  	[tilespmem:s15], [sflag:$0x4] =	stream.linear.gather @!p1 [hbm4b:s12+s14], $0x50, $0x38;
	[tilespmem:$0x1DC80] =	vst v63  }
0x99: {  	p1 =	sne.s32 s13, $0x0  }
.Ltmp0:
0x9a: {  	_ = 	snop;
	(pc) =	sbr.rel @p1 .LBB2_2-.Ltmp0, $2  }
0x9b: {  	_ =	sdelay $0x2  }
0x9c: {  	s8 =	sadd.s32 $0x2, s8;
	s6 =	sadd.s32 $0xA0, s6;
	s17 =	sadd.s32 $0xA0, s17  }
0x9d: {  	s6 =	rddreg [dreg:$0x9]  }
0x9e: {  	[hbm4b:s6+s4] =	stream.linear.scatter [tilespmem:s21], [sflag:$0x6], $0x2780, $0x38;
	[tilespmem:$0x1DC80] =	vst v63  }
0x9f: {  	_ =	swait.ge [sflag:s20], $0x2780  }
0xa0: {  	[sflag:s20] =	ssyncset.done $0x0  }
0xa1: {  	s26 =	sadd.s32 $0x1, s26;
	[sflag:s20] =	ssyncadd.s32 $0xFFFFD880  }
0xa2: {  	p1 =	sne.s32 s26, s16;
	[bflag:$0x0] =	sbarrier.arrive $0xFFFF  }
.Ltmp1:
0xa3: {  	s17 =	rddreg [dreg:$0xa];
	(pc) =	sbr.rel @p1 .LBB2_1-.Ltmp1, $4  }
0xa4: {  	[hbm:s17], [sflag:s18] =	dma.local [spmem:s19], $0x2780  }
0xa5: {  	_ =	swait.ge [sflag:s20], $0x2780  }
0xa6: {  	[sflag:s20] =	ssyncset.done $0x0  }
0xa7: {  	[sflag:s20] =	ssyncadd.s32 $0xFFFFD880  }
0xa8: {  	_ =	sfence.sel $0x180000  }
0xa9: {  	[bflag:$0x0] =	sbarrier.arrive $0xFFFF  }
0xaa: {  	_ =	strace $0x90000047  }
0xab: {  	s0 =	stileid.u32;
	[bflag:$0x2] =	sbarrier.arrive $0xFFFF  }
0xac: {  	p0 =	sne.s32 s0, $0x0;
	s0 =	rddreg [dreg:$0x3]  }
0xad: {  	s0 =	sadd.s32 @!p0 $0x100000, s0  }
0xae: {  	[sflag:s0] =	ssyncadd.tile.s32 @!p0 $0x1;
	_ =	shalt  }
.Lfunc_end2:
_tile_overlayer_lowered:
.L_overlay_start_2:
0xaf: {  	(tag) =	ssettag $0x2  }
0xb0: {  	s0 =	rddreg [dreg:$0x0];
	s2 =	stileid.u32  }
0xb1: {  	s1 =	rddreg [dreg:$0x1];
	p0 =	sne.s32 s2, $0x0  }
0xb2: {  	s3 =	rddreg [dreg:$0x2];
	[bflag:$0x3] =	sbarrier.arrive $0xFFFF;
	s2 =	simm.s32 @!p0 $0x1C06  }
0xb3: {  	[timem:s3], [sflag:s2] =	dma.local @!p0 [hbm:s0], s1  }
0xb4: {  	s0 =	simm.s32 @!p0 $0x6  }
0xb5: {  	_ =	swait.ge @!p0 [sflag:s0], s1  }
0xb6: {  	s1 =	ssub.s32 @!p0 $0x0, s1;
	[sflag:s0] =	ssyncset.done @!p0 $0x0  }
0xb7: {  	[sflag:s0] =	ssyncadd.s32 @!p0 s1  }
0xb8: {  	[bflag:$0x3] =	sbarrier.arrive $0xFFFF  }
0xb9: {  	_ =	shalt  }

// kernel: kernel.9.cloned.1.call-start
scs
__scs_entry_jumppad:
0x0: {  	(pc) =	sbr.rel $0x88, $3  }
0x1: {  	(tag) =	ssettag $0x0;
	lr =	simm.s32 $0x1  }
0x2: {  	[smem:$0x3F8C] =	sst lr;
	_ =	strace $0xD0000000  }
0x3: {  	_ = 	snop  }
0x4: {  	_ = 	snop  }
0x5: {  	_ = 	snop  }
0x6: {  	_ = 	snop  }
0x7: {  	_ = 	snop  }
__scs_overlays_trampoline_lowered:
0x8: {  	[smem:$0x3F9B] =	sst s0  }
0x9: {  	[smem:$0x3F9C] =	sst s1  }
0xa: {  	[smem:$0x3F9D] =	sst s2  }
0xb: {  	[smem:$0x3F9E] =	sst s3  }
0xc: {  	[smem:$0x3F9F] =	sst s4  }
0xd: {  	[smem:$0x3FA0] =	sst s5  }
0xe: {  	[smem:$0x3FA1] =	sst s6  }
0xf: {  	[smem:$0x3FA2] =	sst s7  }
0x10: {  	[smem:$0x3FA3] =	sst s8  }
0x11: {  	[smem:$0x3FA4] =	sst s9;
	s0 =	simm.s32 @!p0 $0x0  }
0x12: {  	s1 =	sld [smem:$0x3F8A];
	s0 =	simm.s32 @p0 $0x1  }
0x13: {  	[smem:$0x3FA5] =	sst s0;
	s0 =	simm.s32 @!p1 $0x0  }
0x14: {  	s2 =	sld [smem:$0x3F89];
	s0 =	simm.s32 @p1 $0x1  }
0x15: {  	[smem:$0x3FA6] =	sst s0;
	s0 =	simm.s32 @!p2 $0x0  }
0x16: {  	s3 =	sld [smem:$0x3FDB];
	s0 =	simm.s32 @p2 $0x1  }
0x17: {  	s4 =	simm.s32 $0x1BF5;
	[smem:$0x3FA8] =	sst s0  }
0x18: {  	s0 =	sld [smem:$0x3F8B];
	_ =	swait.ge [sflag:s4], $0x0  }
0x19: {  	s7 =	sld [smem:$0x3F8C]  }
0x1a: {  	s8 =	sadd.s32 $0xFFFFE003, lr  }
0x1b: {  	s9 =	sadd.s32 $0xFFFFFEF7, lr;
	s5 =	simm.s32 $0xFFFFFFFF;
	p2 =	slt.u32 s8, $0xFFFFF086  }
0x1c: {  	p1 =	slt.u32 s9, $0xF7A;
	s5 =	simm.s32 @!p2 $0x0  }
0x1d: {  	s5 =	simm.s32 @p1 $0x1;
	p0 =	seq.s32 s7, s2  }
0x1e: {  	s7 =	smul.u32 @!p0 $0xF7A, s2;
	p2 =	seq.s32 @!p0 s5, $0x0  }
0x1f: {  	s9 =	smul.u32 $0xF7A, s1;
	s8 =	simm.s32 @!p0 $0x1BF5;
	p2 =	por !p2, p0  }
0x20: {  	[sflag:s8] =	ssyncset.s32 @!p0 $0xFFFFF086;
	s6 =	sadd.s32 @!p0 s3, s7;
	s7 =	simm.s32 @!p0 $0x108  }
0x21: {  	s3 =	sadd.s32 s3, s9;
	s6 =	sadd.s32 @!p0 $0x88, s6;
	s7 =	simm.s32 @p2 $0x1082  }
0x22: {  	[simem:s7], [sflag:s8] =	dma.local @!p0 [hbm:s6], $0xF7A  }
0x23: {  	s9 =	sor.u32 $0xD0000000, s2;
	s6 =	simm.s32 $0x108;
	_ =	swait.ge @!p0 [sflag:s8], $0x0  }
0x24: {  	s3 =	sadd.s32 $0x88, s3;
	s6 =	simm.s32 @!p1 $0x1082;
	[sflag:s4] =	ssyncset.s32 $0xFFFFF086  }
0x25: {  	[simem:s6], [sflag:s4] =	dma.local [hbm:s3], $0xF7A  }
0x26: {  	[smem:$0x3F8C] =	sst s1;
	(tag) =	ssettag s2;
	_ =	strace s9  }
0x27: {  	s1 =	sld [smem:$0x3F9C]  }
0x28: {  	s2 =	sld [smem:$0x3F9D]  }
0x29: {  	s4 =	sld [smem:$0x3F9F]  }
0x2a: {  	p0 =	seq.s32 s5, $0x0;
	s5 =	sld [smem:$0x3FA0]  }
0x2b: {  	s6 =	sld [smem:$0x3FA1]  }
0x2c: {  	s7 =	sld [smem:$0x3FA2]  }
0x2d: {  	s3 =	simm.s32 $0x108;
	s8 =	sld [smem:$0x3FA3]  }
0x2e: {  	s3 =	simm.s32 @!p0 $0x1082;
	s9 =	sld [smem:$0x3FA4]  }
0x2f: {  	lr =	sadd.s32 s0, s3;
	s0 =	sld [smem:$0x3F9B]  }
0x30: {  	s3 =	sld [smem:$0x3F9E]  }
0x31: {  	[smem:$0x3FA7] =	sst s10  }
0x32: {  	s10 =	sld [smem:$0x3FA5];
	_ =	sdelay $0x3  }
0x33: {  	p0 =	seq.s32 s10, $0x1;
	s10 =	sld [smem:$0x3FA7];
	_ =	sdelay $0x3  }
0x34: {  	[smem:$0x3FA7] =	sst s10  }
0x35: {  	s10 =	sld [smem:$0x3FA6];
	_ =	sdelay $0x3  }
0x36: {  	p1 =	seq.s32 s10, $0x1;
	s10 =	sld [smem:$0x3FA7];
	_ =	sdelay $0x3  }
0x37: {  	[smem:$0x3FA7] =	sst s10  }
0x38: {  	s10 =	sld [smem:$0x3FA8]  }
0x39: {  	_ = 	snop;
	(pc) =	sbr.ind lr, $3  }
0x3a: {  	_ = 	snop  }
0x3b: {  	_ = 	snop  }
0x3c: {  	p2 =	seq.s32 s10, $0x1;
	s10 =	sld [smem:$0x3FA7]  }
0x3d: {  	_ =	shalt  }
0x3e: {  	_ =	shalt  }
0x3f: {  	_ =	shalt  }
0x40: {  	_ =	shalt  }
0x41: {  	_ =	shalt  }
0x42: {  	_ =	shalt  }
0x43: {  	_ =	shalt  }
0x44: {  	_ =	shalt  }
0x45: {  	_ =	shalt  }
0x46: {  	_ =	shalt  }
0x47: {  	_ =	shalt  }
0x48: {  	_ =	shalt  }
0x49: {  	_ =	shalt  }
0x4a: {  	_ =	shalt  }
0x4b: {  	_ =	shalt  }
0x4c: {  	_ =	shalt  }
0x4d: {  	_ =	shalt  }
0x4e: {  	_ =	shalt  }
0x4f: {  	_ =	shalt  }
0x50: {  	_ =	shalt  }
0x51: {  	_ =	shalt  }
0x52: {  	_ =	shalt  }
0x53: {  	_ =	shalt  }
0x54: {  	_ =	shalt  }
0x55: {  	_ =	shalt  }
0x56: {  	_ =	shalt  }
0x57: {  	_ =	shalt  }
0x58: {  	_ =	shalt  }
0x59: {  	_ =	shalt  }
0x5a: {  	_ =	shalt  }
0x5b: {  	_ =	shalt  }
0x5c: {  	_ =	shalt  }
0x5d: {  	_ =	shalt  }
0x5e: {  	_ =	shalt  }
0x5f: {  	_ =	shalt  }
0x60: {  	_ =	shalt  }
0x61: {  	_ =	shalt  }
0x62: {  	_ =	shalt  }
0x63: {  	_ =	shalt  }
0x64: {  	_ =	shalt  }
0x65: {  	_ =	shalt  }
0x66: {  	_ =	shalt  }
0x67: {  	_ =	shalt  }
0x68: {  	_ =	shalt  }
0x69: {  	_ =	shalt  }
0x6a: {  	_ =	shalt  }
0x6b: {  	_ =	shalt  }
0x6c: {  	_ =	shalt  }
0x6d: {  	_ =	shalt  }
0x6e: {  	_ =	shalt  }
0x6f: {  	_ =	shalt  }
0x70: {  	_ =	shalt  }
0x71: {  	_ =	shalt  }
0x72: {  	_ =	shalt  }
0x73: {  	_ =	shalt  }
0x74: {  	_ =	shalt  }
0x75: {  	_ =	shalt  }
0x76: {  	_ =	shalt  }
0x77: {  	_ =	shalt  }
0x78: {  	_ =	shalt  }
0x79: {  	_ =	shalt  }
0x7a: {  	_ =	shalt  }
0x7b: {  	_ =	shalt  }
0x7c: {  	_ =	shalt  }
0x7d: {  	_ =	shalt  }
0x7e: {  	_ =	shalt  }
0x7f: {  	_ =	shalt  }
0x80: {  	_ =	shalt  }
0x81: {  	_ =	shalt  }
0x82: {  	_ =	shalt  }
0x83: {  	_ =	shalt  }
0x84: {  	_ =	shalt  }
0x85: {  	_ =	shalt  }
0x86: {  	_ =	shalt  }
0x87: {  	_ =	shalt  }
.Lfunc_end0:
.L_simem_size_0:
called_computation.1_lowered:
.L_overlay_start_0:
0x88: {  	s2 =	sld [smem:$0x3FD9]  }
0x89: {  	s3 =	sld [smem:$0x3FFE];
	_ =	sdelay $0x1  }
0x8a: {  	s1 =	srdreg.scid  }
0x8b: {  	s0 =	sand.u32 $0x1, s1  }
0x8c: {  	s16 =	sshll.u32 s0, $0xA;
	s2 =	sadd.s32 s3, s2  }
0x8d: {  	s2 =	sadd.s32 s2, s16  }
0x8e: {  	[smem:$0x3FB3] =	sst s2  }
0x8f: {  	_ = 	snop  }
0x90: {  	(tm) =	ssettm $0x1  }
0x91: {  	s17 =	sld [smem:$0x3FFB];
	_ =	sdelay $0x3  }
0x92: {  	_ =	strace s17  }
0x93: {  	s2 =	sld [smem:$0x3FFC];
	_ =	sdelay $0x3  }
0x94: {  	_ =	strace s2  }
0x95: {  	s2 =	sld [smem:$0x3FFD];
	_ =	sdelay $0x3  }
0x96: {  	_ =	strace s2  }
0x97: {  	_ =	strace $0x8FFFFFFF  }
0x98: {  	s18 =	sld [smem:$0x3FDB];
	_ =	sdelay $0x1  }
0x99: {  	s19 =	simm.s32 $_scs_section_size  }
0x9a: {  	s4 =	simm.s32 $_size__tile_overlayer_lowered;
	s5 =	simm.s32 $_tile_overlayer_lowered  }
0x9b: {  	s22 =	simm.s32 $0x1BFF;
	s21 =	sshll.u32 s5, $0x1;
	s2 =	sadd.s32 s19, s18  }
0x9c: {  	s6 =	simm.s32 $0x0;
	s20 =	sshll.u32 s4, $0x1;
	s4 =	sadd.s32 s21, s2  }
0x9d: {  	[timem:s6], [sflag:s22] =	dma.local [hbm:s4], s20  }
0x9e: {  	_ =	swait.ge [sflag:s22], s20  }
0x9f: {  	s3 =	ssub.s32 $0x0, s20;
	[sflag:s22] =	ssyncset.done $0x0  }
0xa0: {  	[sflag:s22] =	ssyncadd.s32 s3;
	_ =	sdelay $0x1  }
0xa1: {  	s23 =	simm.s32 $0x1B8B  }
0xa2: {  	_ =	swait.ge [sflag:s23], $0x1  }
0xa3: {  	[sflag:s23] =	ssyncset.done $0x0  }
0xa4: {  	s25 =	simm.s32 $0x1B8E;
	s24 =	sld [smem:$0x3FFE];
	[sflag:s23] =	ssyncadd.s32 $0xFFFFFFFF  }
0xa5: {  	s26 =	simm.s32 $execute0_lowered;
	[smem:$0x3FD2] =	sst s25  }
0xa6: {  	s4 =	sshll.u32 s26, $0x1;
	_ =	strace $0x80000049;
	[dreg:$0x1] =	wrdreg $0xFFFFFFFF  }
0xa7: {  	s28 =	simm.s32 $_size_execute0_lowered;
	s2 =	sadd.s32 s2, s4;
	[dreg:$0x0] =	wrdreg $0x0  }
0xa8: {  	s4 =	sshll.u32 s28, $0x1;
	[dreg:$0x2] =	wrdreg s2  }
0xa9: {  	[dreg:$0x3] =	wrdreg s4  }
0xaa: {  	[dreg:$0x4] =	wrdreg $0xC0  }
0xab: {  	_ =	task [dreg:s6], $0x5FFFF  }
0xac: {  	[dreg:$0x1] =	wrdreg $0xFFFFFFFF  }
0xad: {  	[dreg:$0x0] =	wrdreg $0x60  }
0xae: {  	[dreg:$0x2] =	wrdreg s24  }
0xaf: {  	[dreg:$0x3] =	wrdreg $0x0  }
0xb0: {  	[dreg:$0x4] =	wrdreg $0x9  }
0xb1: {  	_ =	task.clear_ibuf [dreg:s6], $0x5FFFF;
	_ =	strace $0x90000049  }
0xb2: {  	s29 =	simm.s32 $0x9;
	_ =	strace $0x8000004B  }
0xb3: {  	_ =	swait.ge [sflag:s29], $0x1  }
0xb4: {  	[sflag:s29] =	ssyncadd.s32 $0xFFFFFFFF  }
0xb5: {  	_ =	strace $0x9000004B  }
0xb6: {  	_ =	sfence  }
0xb7: {  	s30 =	sld [smem:$0x0];
	_ =	sdelay $0x2  }
0xb8: {  	s31 =	sshll.u32 s1, $0xD;
	s1 =	sshrl.u32 s1, $0x2  }
0xb9: {  	s3 =	sand.u32 $0x4000, s31;
	s1 =	sadd.s32 s1, s30  }
0xba: {  	s0 =	sor.u32 s3, s0;
	s1 =	sshll.u32 s1, $0x11  }
0xbb: {  	s0 =	sor.u32 s1, s0  }
0xbc: {  	s0 =	sadd.s32 $0x8F2B, s0  }
0xbd: {  	[sflag:s0] =	ssyncadd.remote.s32 $0x1  }
0xbe: {  	_ =	sfence.sel $0xFFFF  }
0xbf: {  	[dreg:$0x0] =	wrdreg $0xFFFFFFFF;
	(pc) =	sbr.abs _section_cstart, $3  }
0xc0: {  	[dreg:$0x1] =	wrdreg $0xFFFFFFFF  }
0xc1: {  	_ =	task.clear_ibuf [dreg:s6], $0x2FFFF;
	_ =	strace $0x9FFFFFFF  }
0xc2: {  	(tm) =	ssettm $0x7FFFFFFF  }
0xc3: {  	_ =	shalt  }
tec
execute0_lowered:
.L_overlay_start_1:
0x0: {  	(tag) =	ssettag $0x1  }
0x1: {  	s0 =	rddreg [dreg:$0x0]  }
0x2: {  	s2 =	rddreg [dreg:$0x1];
	s3 =	simm.s32 $0x0  }
0x3: {  	s13 =	stileid.u32;
	s1 =	srdreg.scid;
	s18 =	simm.s32 $0x6  }
0x4: {  	s19 =	simm.s32 $0x50;
	s28 =	simm.s32 $0x3;
	s29 =	simm.s32 $0x5  }
0x5: {  	s30 =	simm.s32 $0x2;
	s31 =	simm.s32 $0x4;
	[smem:$0x7FF] =	sst s3  }
0x6: {  	s20 =	smul.u32 $0x2780, s13;
	s1 =	sand.u32 $0x1, s1;
	s4 =	sadd.s32 $0x3EE00, s0  }
0x7: {  	s7 =	sadd.s32 $0xD200, s0;
	s5 =	sadd.s32 $0x3400, s0;
	s10 =	smul.u32 $0x2620, s13  }
0x8: {  	s12 =	smul.u32 $0x4F000, s13;
	s26 =	sshll.u32 s13, $0x6;
	_ =	strace $0x8000004A  }
0x9: {  	s6 =	smul.u32 $0x27800, s1;
	s8 =	ssub.s32 $0x2, s1;
	p0 =	seq.s32 s1, $0x0  }
0xa: {  	s16 =	sor.u32 $0x1C06, s26;
	s26 =	simm.s32 $0x1;
	s9 =	sshrl.u32 s8, $0x1  }
0xb: {  	s3 =	sadd.s32 s20, s0;
	s10 =	sadd.s32 $0x28000, s10;
	s21 =	sshrl.u32 s12, $0x2  }
0xc: {  	s6 =	sadd.s32 s20, s6;
	s8 =	ssub.s32 s8, s9;
	s9 =	smul.u32 $0x2800, s13  }
0xd: {  	s11 =	sshrl.u32 s10, $0x3;
	s23 =	sadd.s32 s21, s2;
	s3 =	sadd.s32 $0x17000, s3  }
0xe: {  	s21 =	simm.s32 $0x16400;
	s0 =	sadd.s32 s6, s0;
	s6 =	simm.s32 $0x80  }
0xf: {  	s11 =	sadd.s32 s7, s11;
	[dreg:$0x5] =	wrdreg s3;
	s14 =	smax.u32 s8, $0x1  }
0x10: {  	s17 =	sshrl.u32 s23, $0x3;
	s6 =	simm.s32 @!p0 $0x7A;
	s10 =	smov.u32 @p0 s9  }
0x11: {  	[dreg:$0x3] =	wrdreg s11;
	s9 =	sshrl.u32 s9, $0x3;
	s0 =	sadd.s32 $0x6FE00, s0  }
0x12: {  	p0 =	sne.s32 s1, $0x0;
	s22 =	sshrl.u32 s10, $0x3;
	s7 =	sadd.s32 s7, s9  }
0x13: {  	s25 =	sshrl.u32 s6, $0x1;
	[dreg:$0x8] =	wrdreg s0;
	s15 =	sadd.s32 $0xA0, s10  }
0x14: {  	s0 =	simm.s32 $0x0;
	[dreg:$0x4] =	wrdreg s7;
	s9 =	sadd.s32 s5, s22  }
0x15: {  	[dreg:$0x7] =	wrdreg s25;
	s22 =	simm.s32 $0x1B400;
	s24 =	sadd.s32 $0xA, s9  }
0x16: {  	s25 =	simm.s32 $0x1B480;
	[dreg:$0x6] =	wrdreg s24;
	s24 =	simm.s32 $0x18C00  }
.LBB2_1:
0x17: {  	s1 =	simm.s32 @p0 $0x0;
	s3 =	simm.s32 @p0 $0x13C00;
	s7 =	rddreg [dreg:$0x3]  }
0x18: {  	[tilespmem:s3], [sflag:$0x6] =	stream.linear.gather @p0 [hbm4b:s7+s1], $0x2620, $0x38;
	[tilespmem:$0x1B500] =	vst v63  }
0x19: {  	s1 =	simm.s32 @p0 $0x6  }
0x1a: {  	_ =	swait.ge @p0 [sflag:s1], $0x2620  }
0x1b: {  	s3 =	simm.s32 @!p0 $0x13C00;
	[sflag:s1] =	ssyncset.done @p0 $0x0  }
0x1c: {  	s7 =	rddreg [dreg:$0x4];
	[sflag:s1] =	ssyncadd.s32 @p0 $0xFFFFD9E0;
	s1 =	simm.s32 @!p0 $0x0  }
0x1d: {  	[tilespmem:s3], [sflag:$0x6] =	stream.linear.gather @!p0 [hbm4b:s7+s1], $0x2800, $0x38;
	[tilespmem:$0x1B500] =	vst v63  }
0x1e: {  	s1 =	simm.s32 @!p0 $0x6  }
0x1f: {  	_ =	swait.ge @!p0 [sflag:s1], $0x2800  }
0x20: {  	[sflag:s1] =	ssyncset.done @!p0 $0x0  }
0x21: {  	s10 =	rddreg [dreg:$0x5];
	[sflag:s1] =	ssyncadd.s32 @!p0 $0xFFFFD800  }
0x22: {  	[spmem:s17], [sflag:s16] =	dma.local [hbm:s10], $0x2780  }
0x23: {  	_ =	swait.ge [sflag:s18], $0x2780  }
0x24: {  	[sflag:s18] =	ssyncset.done $0x0  }
0x25: {  	[sflag:s18] =	ssyncadd.s32 $0xFFFFD880  }
0x26: {  	s11 =	simm.s32 $0x13C00;
	[bflag:$0x0] =	sbarrier.arrive $0xFFFF  }
0x27: {  	[tilespmem:s21], [sflag:$0x1] =	stream.indirect.gather [hbm4b:s4+s19], $0x80, s11, s19, $0xb8;
	[tilespmem:$0x1B500] =	vst v63  }
0x28: {  	s12 =	simm.s32 $0x0  }
0x29: {  	[tilespmem:s22], [sflag:$0x3] =	stream.linear.gather [hbm4b:s9+s12], $0x50, $0x38;
	[tilespmem:$0x1B500] =	vst v63  }
0x2a: {  	s13 =	simm.s32 $0x13C50  }
0x2b: {  	[tilespmem:s24], [sflag:$0x2] =	stream.indirect.gather [hbm4b:s4+s19], $0x80, s13, s19, $0xb8;
	[tilespmem:$0x1B500] =	vst v63  }
0x2c: {  	s20 =	rddreg [dreg:$0x6]  }
0x2d: {  	[tilespmem:s25], [sflag:$0x4] =	stream.linear.gather [hbm4b:s20+s12], $0x50, $0x38;
	[tilespmem:$0x1B500] =	vst v63  }
0x2e: {  	_ =	swait.ge [sflag:s26], $0x2800  }
0x2f: {  	[sflag:s26] =	ssyncset.done $0x0  }
0x30: {  	[sflag:s26] =	ssyncadd.s32 $0xFFFFD800  }
0x31: {  	_ =	swait.ge [sflag:s28], $0x50  }
0x32: {  	[sflag:s28] =	ssyncset.done $0x0  }
0x33: {  	[sflag:s28] =	ssyncadd.s32 $0xFFFFFFB0  }
0x34: {  	[spmem:s2] =	stream.indirect.scatter.add.f32 [tilespmem:s21], [sflag:$0x5], $0x80, s22, s19, $0xb8;
	[tilespmem:$0x1B500] =	vst v63  }
0x35: {  	p1 =	sle.u32 s6, $0x2;
	_ =	swait.ge [sflag:s29], $0x2800  }
0x36: {  	s8 =	simm.s32 @!p1 $0x50;
	s3 =	simm.s32 @!p1 $0x16400;
	[sflag:s29] =	ssyncset.done $0x0  }
0x37: {  	s7 =	sshrl.u32 @!p1 s15, $0x3;
	s1 =	simm.s32 $0x13CA0;
	[sflag:s29] =	ssyncadd.s32 $0xFFFFD800  }
0x38: {  	[tilespmem:s3], [sflag:$0x1] =	stream.indirect.gather @!p1 [hbm4b:s4+s8], $0x80, s1, s8, $0xb8;
	[tilespmem:$0x1B500] =	vst v63  }
0x39: {  	s1 =	sadd.s32 @!p1 s5, s7;
	s3 =	simm.s32 @!p1 $0x0;
	s7 =	simm.s32 @!p1 $0x1B400  }
0x3a: {  	[tilespmem:s7], [sflag:$0x3] =	stream.linear.gather @!p1 [hbm4b:s1+s3], $0x50, $0x38;
	[tilespmem:$0x1B500] =	vst v63  }
0x3b: {  	_ =	swait.ge [sflag:s30], $0x2800  }
0x3c: {  	s23 =	rddreg [dreg:$0x7]  }
0x3d: {  	p2 =	sle.u32 s6, $0x3;
	[sflag:s30] =	ssyncset.done $0x0;
	s1 =	sadd.s32 $0xFFFFFFFF, s23  }
0x3e: {  	s10 =	simm.s32 @!p2 $0x18C00;
	[sflag:s30] =	ssyncadd.s32 $0xFFFFD800;
	p1 =	sne.s32 s1, $0x0  }
.Ltmp0:
0x3f: {  	s11 =	sadd.s32 @!p2 $0x50, s15;
	_ =	swait.ge [sflag:s31], $0x50;
	(pc) =	sbr.rel @!p1 .LBB2_3-.Ltmp0, $4  }
0x40: {  	s11 =	sshrl.u32 @!p2 s11, $0x3;
	s20 =	sadd.s32 $0xA0, s15;
	[sflag:s31] =	ssyncset.done $0x0  }
0x41: {  	s8 =	simm.s32 @!p2 $0x13CF0;
	s3 =	simm.s32 $0x13D40;
	[sflag:s31] =	ssyncadd.s32 $0xFFFFFFB0  }
0x42: {  	[spmem:s2] =	stream.indirect.scatter.add.f32 [tilespmem:s24], [sflag:$0x5], $0x80, s25, s19, $0xb8;
	[tilespmem:$0x1B500] =	vst v63  }
0x43: {  	s7 =	simm.s32 @!p2 $0x0;
	s23 =	simm.s32 $0x4;
	_ =	swait.ge [sflag:s29], $0x2800  }
.LBB2_2:
0x44: {  	[sflag:s29] =	ssyncset.done $0x0;
	s12 =	simm.s32 @!p2 $0x50;
	s11 =	sadd.s32 @!p2 s5, s11  }
0x45: {  	s1 =	sadd.s32 $0xFFFFFFFF, s1;
	s13 =	simm.s32 @!p2 $0x1B480;
	[sflag:s29] =	ssyncadd.s32 $0xFFFFD800  }
0x46: {  	[tilespmem:s10], [sflag:$0x2] =	stream.indirect.gather @!p2 [hbm4b:s4+s12], $0x80, s8, s12, $0xb8;
	[tilespmem:$0x1B500] =	vst v63  }
0x47: {  	p1 =	sne.s32 s1, $0x0;
	s10 =	smov.u32 s20;
	s8 =	smov.u32 s3  }
0x48: {  	[tilespmem:s13], [sflag:$0x4] =	stream.linear.gather @!p2 [hbm4b:s11+s7], $0x50, $0x38;
	[tilespmem:$0x1B500] =	vst v63  }
0x49: {  	_ =	swait.ge [sflag:s26], $0x2800  }
0x4a: {  	[sflag:s26] =	ssyncset.done $0x0  }
0x4b: {  	[sflag:s26] =	ssyncadd.s32 $0xFFFFD800  }
0x4c: {  	_ =	swait.ge [sflag:s28], $0x50  }
0x4d: {  	[sflag:s28] =	ssyncset.done $0x0  }
0x4e: {  	[sflag:s28] =	ssyncadd.s32 $0xFFFFFFB0  }
0x4f: {  	[spmem:s2] =	stream.indirect.scatter.add.f32 [tilespmem:s21], [sflag:$0x5], $0x80, s22, s19, $0xb8;
	[tilespmem:$0x1B500] =	vst v63  }
0x50: {  	p2 =	sge.u32 s23, s6;
	_ =	swait.ge [sflag:s29], $0x2800  }
0x51: {  	s7 =	simm.s32 @!p2 $0x16400;
	s11 =	sshrl.u32 @!p2 s20, $0x3;
	[sflag:s29] =	ssyncset.done $0x0  }
0x52: {  	s12 =	simm.s32 @!p2 $0x50;
	s11 =	sadd.s32 @!p2 s5, s11;
	[sflag:s29] =	ssyncadd.s32 $0xFFFFD800  }
0x53: {  	[tilespmem:s7], [sflag:$0x1] =	stream.indirect.gather @!p2 [hbm4b:s4+s12], $0x80, s3, s12, $0xb8;
	[tilespmem:$0x1B500] =	vst v63  }
0x54: {  	s7 =	simm.s32 @!p2 $0x0;
	s12 =	simm.s32 @!p2 $0x1B400  }
0x55: {  	[tilespmem:s12], [sflag:$0x3] =	stream.linear.gather @!p2 [hbm4b:s11+s7], $0x50, $0x38;
	[tilespmem:$0x1B500] =	vst v63  }
0x56: {  	_ =	swait.ge [sflag:s30], $0x2800  }
0x57: {  	[sflag:s30] =	ssyncset.done $0x0  }
0x58: {  	[sflag:s30] =	ssyncadd.s32 $0xFFFFD800  }
0x59: {  	s20 =	sadd.s32 $0xA0, s20;
	s7 =	sadd.s32 $0x1, s23;
	_ =	swait.ge [sflag:s31], $0x50  }
.Ltmp1:
0x5a: {  	s23 =	sadd.s32 $0x2, s23;
	[sflag:s31] =	ssyncset.done $0x0;
	(pc) =	sbr.rel @p1 .LBB2_2-.Ltmp1, $4  }
0x5b: {  	s3 =	sadd.s32 $0xA0, s3;
	p2 =	sge.u32 s7, s6;
	[sflag:s31] =	ssyncadd.s32 $0xFFFFFFB0  }
0x5c: {  	s8 =	sadd.s32 @!p2 $0x50, s8;
	s11 =	sadd.s32 @!p2 $0x50, s10;
	s7 =	simm.s32 @!p2 $0x0  }
0x5d: {  	[spmem:s2] =	stream.indirect.scatter.add.f32 [tilespmem:s24], [sflag:$0x5], $0x80, s25, s19, $0xb8;
	[tilespmem:$0x1B500] =	vst v63  }
0x5e: {  	s10 =	simm.s32 @!p2 $0x18C00;
	s11 =	sshrl.u32 @!p2 s11, $0x3;
	_ =	swait.ge [sflag:s29], $0x2800  }
.LBB2_3:
0x5f: {  	[sflag:s29] =	ssyncset.done $0x0  }
0x60: {  	s1 =	simm.s32 @!p2 $0x50;
	[sflag:s29] =	ssyncadd.s32 $0xFFFFD800  }
0x61: {  	[tilespmem:s10], [sflag:$0x2] =	stream.indirect.gather @!p2 [hbm4b:s4+s1], $0x80, s8, s1, $0xb8;
	[tilespmem:$0x1B500] =	vst v63  }
0x62: {  	s3 =	simm.s32 @!p2 $0x1B480;
	s0 =	sadd.s32 $0x1, s0;
	s1 =	sadd.s32 @!p2 s5, s11  }
0x63: {  	[tilespmem:s3], [sflag:$0x4] =	stream.linear.gather @!p2 [hbm4b:s1+s7], $0x50, $0x38;
	[tilespmem:$0x1B500] =	vst v63  }
0x64: {  	p1 =	sne.s32 s0, s14;
	[bflag:$0x0] =	sbarrier.arrive $0xFFFF  }
.Ltmp2:
0x65: {  	s23 =	rddreg [dreg:$0x8];
	(pc) =	sbr.rel @p1 .LBB2_1-.Ltmp2, $4  }
0x66: {  	[hbm:s23], [sflag:s16] =	dma.local [spmem:s17], $0x2780  }
0x67: {  	_ =	swait.ge [sflag:s18], $0x2780  }
0x68: {  	[sflag:s18] =	ssyncset.done $0x0  }
0x69: {  	[sflag:s18] =	ssyncadd.s32 $0xFFFFD880  }
0x6a: {  	_ =	sfence.sel $0x180000  }
0x6b: {  	[bflag:$0x0] =	sbarrier.arrive $0xFFFF  }
0x6c: {  	_ =	strace $0x9000004A  }
0x6d: {  	s0 =	stileid.u32;
	[bflag:$0x2] =	sbarrier.arrive $0xFFFF  }
0x6e: {  	p0 =	sne.s32 s0, $0x0;
	s0 =	rddreg [dreg:$0x2]  }
0x6f: {  	s0 =	sadd.s32 @!p0 $0x100000, s0  }
0x70: {  	[sflag:s0] =	ssyncadd.tile.s32 @!p0 $0x1;
	_ =	shalt  }
.Lfunc_end2:
_tile_overlayer_lowered:
.L_overlay_start_2:
0x71: {  	(tag) =	ssettag $0x2  }
0x72: {  	s0 =	rddreg [dreg:$0x0];
	s2 =	stileid.u32  }
0x73: {  	s1 =	rddreg [dreg:$0x1];
	p0 =	sne.s32 s2, $0x0  }
0x74: {  	s3 =	rddreg [dreg:$0x2];
	[bflag:$0x3] =	sbarrier.arrive $0xFFFF;
	s2 =	simm.s32 @!p0 $0x1C06  }
0x75: {  	[timem:s3], [sflag:s2] =	dma.local @!p0 [hbm:s0], s1  }
0x76: {  	s0 =	simm.s32 @!p0 $0x6  }
0x77: {  	_ =	swait.ge @!p0 [sflag:s0], s1  }
0x78: {  	s1 =	ssub.s32 @!p0 $0x0, s1;
	[sflag:s0] =	ssyncset.done @!p0 $0x0  }
0x79: {  	[sflag:s0] =	ssyncadd.s32 @!p0 s1  }
0x7a: {  	[bflag:$0x3] =	sbarrier.arrive $0xFFFF  }
0x7b: {  	_ =	shalt  }

</sc_bundles>
